<compile_context>
chip_gen: v7x
topology: tpu7x:2x2x1
jax: 0.10.2.dev20260603
libtpu: 0.0.44.dev20260713+nightly
codegen_flags: <defaults>
</compile_context>

<pallas_src>
import jax
import jax.numpy as jnp
from jax import lax
from jax.experimental import pallas as pl
from jax.experimental.pallas import tpu as pltpu
from jax.experimental.pallas import tpu_sc as plsc

_NUM_SAMPLES = 16
_T = 128
_ROW = 3 * 224 * 224
_HALF = _ROW // 2
_NCHUNK = 8
_C = _HALF // _NCHUNK


def _sc_gather(x_hbm, out_hbm, buf, rsem, wsem):
    cid = lax.axis_index("c")
    sid = lax.axis_index("s")
    wid = sid * 2 + cid
    frame = wid // 2
    half = wid % 2
    src = (frame * (_T - 1)) // (_NUM_SAMPLES - 1)
    src_base = src * _ROW + half * _HALF
    dst_base = frame * _ROW + half * _HALF

    reads = []
    writes = []
    for k in range(_NCHUNK):
        reads.append(pltpu.make_async_copy(
            x_hbm.at[pl.ds(src_base + k * _C, _C)],
            buf.at[pl.ds(k * _C, _C)],
            rsem.at[k],
        ))
        writes.append(pltpu.make_async_copy(
            buf.at[pl.ds(k * _C, _C)],
            out_hbm.at[pl.ds(dst_base + k * _C, _C)],
            wsem.at[k],
        ))
    for r in reads:
        r.start()
    for k in range(_NCHUNK):
        reads[k].wait()
        writes[k].start()
    for w in writes:
        w.wait()


def kernel(x):
    x1 = x.reshape(_T * _ROW)
    mesh = plsc.VectorSubcoreMesh(core_axis_name="c", subcore_axis_name="s")
    out = pl.kernel(
        _sc_gather,
        mesh=mesh,
        out_type=jax.ShapeDtypeStruct((_NUM_SAMPLES * _ROW,), jnp.float32),
        scratch_types=[
            pltpu.VMEM((_HALF,), jnp.float32),
            pltpu.SemaphoreType.DMA((_NCHUNK,)),
            pltpu.SemaphoreType.DMA((_NCHUNK,)),
        ],
    )(x1)
    return out.reshape(_NUM_SAMPLES, 3, 224, 224)

# --- scband reference (transcript-rebuilt; emitter-appended) ---
"""Pipeline reference for scband-uniform-temporal-subsample-41308995453542 (READ-ONLY COPY).

The authoritative reference and input builder live on the scoring server;
editing this copy changes nothing except your own understanding.
"""

import jax, jax.numpy as jnp
import numpy as np

NUM_SAMPLES = 16

def setup_inputs(seed: int = 0) -> dict:
    key = jax.random.key(seed)
    x = jax.random.normal(key, (128, 3, 224, 224), dtype=jnp.float32)
    return {"x": x}

def reference(x):
    t = x.shape[0]
    indices = jnp.linspace(0.0, t - 1, NUM_SAMPLES)
    indices = jnp.clip(indices, 0, t - 1).astype(jnp.int32)
    return jnp.take(x, indices, axis=0)

if __name__ == "__main__":
    import jax
    _d = setup_inputs()
    print(jax.jit(kernel)(*tuple(_d.values())))

</pallas_src>

<mosaic_0001>
#map = affine_map<(d0, d1) -> (0)>
module attributes {stable_mosaic.version = 14 : i64} {
  func.func @_sc_gather(%arg0: i32, %arg1: i32, %arg2: memref<19267584xf32, #tpu.memory_space<hbm>>, %arg3: memref<2408448xf32, #tpu.memory_space<hbm>>, %arg4: memref<75264xf32, #tpu.memory_space<vmem>>, %arg5: memref<8x!tpu.dma_semaphore, #tpu.memory_space<semaphore_mem>>, %arg6: memref<8x!tpu.dma_semaphore, #tpu.memory_space<semaphore_mem>>) attributes {dimension_semantics = [#tpu.dimension_semantics<core_parallel>, #tpu.dimension_semantics<subcore_parallel>], iteration_bounds = array<i64: 2, 16>, scalar_prefetch = 0 : i64, scratch_operands = 3 : i64, tpu.core_type = #tpu.core_type<sc_vector_subcore>, window_params = [{transform_indices = #map}, {transform_indices = #map}]} {
    %mul3A = arith.constant 2 : i32
    %mul3A_0 = arith.muli %arg1, %mul3A : i32
    %add3A = arith.addi %mul3A_0, %arg0 : i32
    %jit3A = arith.constant 2 : i32
    %div3A = arith.divsi %add3A, %jit3A : i32
    %sign3A = arith.constant 0 : i32
    %sign3A_1 = arith.cmpi sgt, %add3A, %sign3A : i32
    %sign3A_2 = arith.extui %sign3A_1 : i1 to i32
    %sign3A_3 = arith.constant 0 : i32
    %sign3A_4 = arith.cmpi slt, %add3A, %sign3A_3 : i32
    %sign3A_5 = arith.extui %sign3A_4 : i1 to i32
    %sign3A_6 = arith.subi %sign3A_2, %sign3A_5 : i32
    %sign3A_7 = arith.constant 0 : i32
    %sign3A_8 = arith.cmpi sgt, %jit3A, %sign3A_7 : i32
    %sign3A_9 = arith.extui %sign3A_8 : i1 to i32
    %sign3A_10 = arith.constant 0 : i32
    %sign3A_11 = arith.cmpi slt, %jit3A, %sign3A_10 : i32
    %sign3A_12 = arith.extui %sign3A_11 : i1 to i32
    %sign3A_13 = arith.subi %sign3A_9, %sign3A_12 : i32
    %ne3A = arith.cmpi ne, %sign3A_6, %sign3A_13 : i32
    %rem3A = arith.remsi %add3A, %jit3A : i32
    %ne3A_14 = arith.constant 0 : i32
    %ne3A_15 = arith.cmpi ne, %rem3A, %ne3A_14 : i32
    %and3A = arith.andi %ne3A, %ne3A_15 : i1
    %sub3A = arith.constant 1 : i32
    %sub3A_16 = arith.subi %div3A, %sub3A : i32
    %select_n3A = arith.select %and3A, %sub3A_16, %div3A : i32
    %jit3A_17 = arith.constant 2 : i32
    %eq3A = arith.constant 0 : i32
    %eq3A_18 = arith.cmpi eq, %jit3A_17, %eq3A : i32
    %jit3A_19 = arith.constant 1 : i32
    %select_n3A_20 = arith.select %eq3A_18, %jit3A_19, %jit3A_17 : i32
    %rem3A_21 = arith.remsi %add3A, %select_n3A_20 : i32
    %ne3A_22 = arith.constant 0 : i32
    %ne3A_23 = arith.cmpi ne, %rem3A_21, %ne3A_22 : i32
    %lt3A = arith.constant 0 : i32
    %lt3A_24 = arith.cmpi slt, %rem3A_21, %lt3A : i32
    %lt3A_25 = arith.constant 0 : i32
    %lt3A_26 = arith.cmpi slt, %select_n3A_20, %lt3A_25 : i32
    %ne3A_27 = arith.xori %lt3A_24, %lt3A_26 : i1
    %and3A_28 = arith.andi %ne3A_27, %ne3A_23 : i1
    %add3A_29 = arith.addi %rem3A_21, %select_n3A_20 : i32
    %select_n3A_30 = arith.select %and3A_28, %add3A_29, %rem3A_21 : i32
    %mul3A_31 = arith.constant 127 : i32
    %mul3A_32 = arith.muli %select_n3A, %mul3A_31 : i32
    %jit3A_33 = arith.constant 15 : i32
    %div3A_34 = arith.divsi %mul3A_32, %jit3A_33 : i32
    %sign3A_35 = arith.constant 0 : i32
    %sign3A_36 = arith.cmpi sgt, %mul3A_32, %sign3A_35 : i32
    %sign3A_37 = arith.extui %sign3A_36 : i1 to i32
    %sign3A_38 = arith.constant 0 : i32
    %sign3A_39 = arith.cmpi slt, %mul3A_32, %sign3A_38 : i32
    %sign3A_40 = arith.extui %sign3A_39 : i1 to i32
    %sign3A_41 = arith.subi %sign3A_37, %sign3A_40 : i32
    %sign3A_42 = arith.constant 0 : i32
    %sign3A_43 = arith.cmpi sgt, %jit3A_33, %sign3A_42 : i32
    %sign3A_44 = arith.extui %sign3A_43 : i1 to i32
    %sign3A_45 = arith.constant 0 : i32
    %sign3A_46 = arith.cmpi slt, %jit3A_33, %sign3A_45 : i32
    %sign3A_47 = arith.extui %sign3A_46 : i1 to i32
    %sign3A_48 = arith.subi %sign3A_44, %sign3A_47 : i32
    %ne3A_49 = arith.cmpi ne, %sign3A_41, %sign3A_48 : i32
    %rem3A_50 = arith.remsi %mul3A_32, %jit3A_33 : i32
    %ne3A_51 = arith.constant 0 : i32
    %ne3A_52 = arith.cmpi ne, %rem3A_50, %ne3A_51 : i32
    %and3A_53 = arith.andi %ne3A_49, %ne3A_52 : i1
    %sub3A_54 = arith.constant 1 : i32
    %sub3A_55 = arith.subi %div3A_34, %sub3A_54 : i32
    %select_n3A_56 = arith.select %and3A_53, %sub3A_55, %div3A_34 : i32
    %mul3A_57 = arith.constant 150528 : i32
    %mul3A_58 = arith.muli %select_n3A_56, %mul3A_57 : i32
    %mul3A_59 = arith.constant 75264 : i32
    %mul3A_60 = arith.muli %select_n3A_30, %mul3A_59 : i32
    %add3A_61 = arith.addi %mul3A_58, %mul3A_60 : i32
    %mul3A_62 = arith.constant 150528 : i32
    %mul3A_63 = arith.muli %select_n3A, %mul3A_62 : i32
    %mul3A_64 = arith.constant 75264 : i32
    %mul3A_65 = arith.muli %select_n3A_30, %mul3A_64 : i32
    %add3A_66 = arith.addi %mul3A_63, %mul3A_65 : i32
    %add3A_67 = arith.constant 0 : i32
    %add3A_68 = arith.addi %add3A_61, %add3A_67 : i32
    %add3A_69 = arith.constant 0 : i32
    %add3A_70 = arith.addi %add3A_66, %add3A_69 : i32
    %add3A_71 = arith.constant 9408 : i32
    %add3A_72 = arith.addi %add3A_61, %add3A_71 : i32
    %add3A_73 = arith.constant 9408 : i32
    %add3A_74 = arith.addi %add3A_66, %add3A_73 : i32
    %add3A_75 = arith.constant 18816 : i32
    %add3A_76 = arith.addi %add3A_61, %add3A_75 : i32
    %add3A_77 = arith.constant 18816 : i32
    %add3A_78 = arith.addi %add3A_66, %add3A_77 : i32
    %add3A_79 = arith.constant 28224 : i32
    %add3A_80 = arith.addi %add3A_61, %add3A_79 : i32
    %add3A_81 = arith.constant 28224 : i32
    %add3A_82 = arith.addi %add3A_66, %add3A_81 : i32
    %add3A_83 = arith.constant 37632 : i32
    %add3A_84 = arith.addi %add3A_61, %add3A_83 : i32
    %add3A_85 = arith.constant 37632 : i32
    %add3A_86 = arith.addi %add3A_66, %add3A_85 : i32
    %add3A_87 = arith.constant 47040 : i32
    %add3A_88 = arith.addi %add3A_61, %add3A_87 : i32
    %add3A_89 = arith.constant 47040 : i32
    %add3A_90 = arith.addi %add3A_66, %add3A_89 : i32
    %add3A_91 = arith.constant 56448 : i32
    %add3A_92 = arith.addi %add3A_61, %add3A_91 : i32
    %add3A_93 = arith.constant 56448 : i32
    %add3A_94 = arith.addi %add3A_66, %add3A_93 : i32
    %add3A_95 = arith.constant 65856 : i32
    %add3A_96 = arith.addi %add3A_61, %add3A_95 : i32
    %add3A_97 = arith.constant 65856 : i32
    %add3A_98 = arith.addi %add3A_66, %add3A_97 : i32
    %dma_start3A = arith.constant 0 : i32
    %dma_start3A_99 = arith.constant 0 : i32
    %dma_start3A_100 = tpu.memref_slice %arg4[%dma_start3A_99] : memref<75264xf32, #tpu.memory_space<vmem>> -> memref<9408xf32, #tpu.memory_space<vmem>>
    %dma_start3A_101 = tpu.memref_slice %arg2[%add3A_68] : memref<19267584xf32, #tpu.memory_space<hbm>> -> memref<9408xf32, #tpu.memory_space<hbm>>
    %dma_start3A_102 = tpu.memref_slice %arg5[%dma_start3A] : memref<8x!tpu.dma_semaphore, #tpu.memory_space<semaphore_mem>> -> memref<1x!tpu.dma_semaphore, #tpu.memory_space<semaphore_mem>>
    %dma_start3A_103 = tpu.memref_squeeze %dma_start3A_102 : memref<1x!tpu.dma_semaphore, #tpu.memory_space<semaphore_mem>> -> memref<!tpu.dma_semaphore, #tpu.memory_space<semaphore_mem>>
    %dma_start3A_104 = arith.constant 0 : i32
    %dma_start3A_105 = tpu.memref_slice %arg4[%dma_start3A_104] : memref<75264xf32, #tpu.memory_space<vmem>> -> memref<9408xf32, #tpu.memory_space<vmem>>
    %dma_start3A_106 = tpu.memref_slice %arg2[%add3A_68] : memref<19267584xf32, #tpu.memory_space<hbm>> -> memref<9408xf32, #tpu.memory_space<hbm>>
    tpu.enqueue_dma source(%dma_start3A_106 : memref<9408xf32, #tpu.memory_space<hbm>>) target(%dma_start3A_105 : memref<9408xf32, #tpu.memory_space<vmem>>) target_semaphore(%dma_start3A_103 : memref<!tpu.dma_semaphore, #tpu.memory_space<semaphore_mem>>)
    %dma_start3A_107 = arith.constant 1 : i32
    %dma_start3A_108 = arith.constant 9408 : i32
    %dma_start3A_109 = tpu.memref_slice %arg4[%dma_start3A_108] : memref<75264xf32, #tpu.memory_space<vmem>> -> memref<9408xf32, #tpu.memory_space<vmem>>
    %dma_start3A_110 = tpu.memref_slice %arg2[%add3A_72] : memref<19267584xf32, #tpu.memory_space<hbm>> -> memref<9408xf32, #tpu.memory_space<hbm>>
    %dma_start3A_111 = tpu.memref_slice %arg5[%dma_start3A_107] : memref<8x!tpu.dma_semaphore, #tpu.memory_space<semaphore_mem>> -> memref<1x!tpu.dma_semaphore, #tpu.memory_space<semaphore_mem>>
    %dma_start3A_112 = tpu.memref_squeeze %dma_start3A_111 : memref<1x!tpu.dma_semaphore, #tpu.memory_space<semaphore_mem>> -> memref<!tpu.dma_semaphore, #tpu.memory_space<semaphore_mem>>
    %dma_start3A_113 = arith.constant 9408 : i32
    %dma_start3A_114 = tpu.memref_slice %arg4[%dma_start3A_113] : memref<75264xf32, #tpu.memory_space<vmem>> -> memref<9408xf32, #tpu.memory_space<vmem>>
    %dma_start3A_115 = tpu.memref_slice %arg2[%add3A_72] : memref<19267584xf32, #tpu.memory_space<hbm>> -> memref<9408xf32, #tpu.memory_space<hbm>>
    tpu.enqueue_dma source(%dma_start3A_115 : memref<9408xf32, #tpu.memory_space<hbm>>) target(%dma_start3A_114 : memref<9408xf32, #tpu.memory_space<vmem>>) target_semaphore(%dma_start3A_112 : memref<!tpu.dma_semaphore, #tpu.memory_space<semaphore_mem>>)
    %dma_start3A_116 = arith.constant 2 : i32
    %dma_start3A_117 = arith.constant 18816 : i32
    %dma_start3A_118 = tpu.memref_slice %arg4[%dma_start3A_117] : memref<75264xf32, #tpu.memory_space<vmem>> -> memref<9408xf32, #tpu.memory_space<vmem>>
    %dma_start3A_119 = tpu.memref_slice %arg2[%add3A_76] : memref<19267584xf32, #tpu.memory_space<hbm>> -> memref<9408xf32, #tpu.memory_space<hbm>>
    %dma_start3A_120 = tpu.memref_slice %arg5[%dma_start3A_116] : memref<8x!tpu.dma_semaphore, #tpu.memory_space<semaphore_mem>> -> memref<1x!tpu.dma_semaphore, #tpu.memory_space<semaphore_mem>>
    %dma_start3A_121 = tpu.memref_squeeze %dma_start3A_120 : memref<1x!tpu.dma_semaphore, #tpu.memory_space<semaphore_mem>> -> memref<!tpu.dma_semaphore, #tpu.memory_space<semaphore_mem>>
    %dma_start3A_122 = arith.constant 18816 : i32
    %dma_start3A_123 = tpu.memref_slice %arg4[%dma_start3A_122] : memref<75264xf32, #tpu.memory_space<vmem>> -> memref<9408xf32, #tpu.memory_space<vmem>>
    %dma_start3A_124 = tpu.memref_slice %arg2[%add3A_76] : memref<19267584xf32, #tpu.memory_space<hbm>> -> memref<9408xf32, #tpu.memory_space<hbm>>
    tpu.enqueue_dma source(%dma_start3A_124 : memref<9408xf32, #tpu.memory_space<hbm>>) target(%dma_start3A_123 : memref<9408xf32, #tpu.memory_space<vmem>>) target_semaphore(%dma_start3A_121 : memref<!tpu.dma_semaphore, #tpu.memory_space<semaphore_mem>>)
    %dma_start3A_125 = arith.constant 3 : i32
    %dma_start3A_126 = arith.constant 28224 : i32
    %dma_start3A_127 = tpu.memref_slice %arg4[%dma_start3A_126] : memref<75264xf32, #tpu.memory_space<vmem>> -> memref<9408xf32, #tpu.memory_space<vmem>>
    %dma_start3A_128 = tpu.memref_slice %arg2[%add3A_80] : memref<19267584xf32, #tpu.memory_space<hbm>> -> memref<9408xf32, #tpu.memory_space<hbm>>
    %dma_start3A_129 = tpu.memref_slice %arg5[%dma_start3A_125] : memref<8x!tpu.dma_semaphore, #tpu.memory_space<semaphore_mem>> -> memref<1x!tpu.dma_semaphore, #tpu.memory_space<semaphore_mem>>
    %dma_start3A_130 = tpu.memref_squeeze %dma_start3A_129 : memref<1x!tpu.dma_semaphore, #tpu.memory_space<semaphore_mem>> -> memref<!tpu.dma_semaphore, #tpu.memory_space<semaphore_mem>>
    %dma_start3A_131 = arith.constant 28224 : i32
    %dma_start3A_132 = tpu.memref_slice %arg4[%dma_start3A_131] : memref<75264xf32, #tpu.memory_space<vmem>> -> memref<9408xf32, #tpu.memory_space<vmem>>
    %dma_start3A_133 = tpu.memref_slice %arg2[%add3A_80] : memref<19267584xf32, #tpu.memory_space<hbm>> -> memref<9408xf32, #tpu.memory_space<hbm>>
    tpu.enqueue_dma source(%dma_start3A_133 : memref<9408xf32, #tpu.memory_space<hbm>>) target(%dma_start3A_132 : memref<9408xf32, #tpu.memory_space<vmem>>) target_semaphore(%dma_start3A_130 : memref<!tpu.dma_semaphore, #tpu.memory_space<semaphore_mem>>)
    %dma_start3A_134 = arith.constant 4 : i32
    %dma_start3A_135 = arith.constant 37632 : i32
    %dma_start3A_136 = tpu.memref_slice %arg4[%dma_start3A_135] : memref<75264xf32, #tpu.memory_space<vmem>> -> memref<9408xf32, #tpu.memory_space<vmem>>
    %dma_start3A_137 = tpu.memref_slice %arg2[%add3A_84] : memref<19267584xf32, #tpu.memory_space<hbm>> -> memref<9408xf32, #tpu.memory_space<hbm>>
    %dma_start3A_138 = tpu.memref_slice %arg5[%dma_start3A_134] : memref<8x!tpu.dma_semaphore, #tpu.memory_space<semaphore_mem>> -> memref<1x!tpu.dma_semaphore, #tpu.memory_space<semaphore_mem>>
    %dma_start3A_139 = tpu.memref_squeeze %dma_start3A_138 : memref<1x!tpu.dma_semaphore, #tpu.memory_space<semaphore_mem>> -> memref<!tpu.dma_semaphore, #tpu.memory_space<semaphore_mem>>
    %dma_start3A_140 = arith.constant 37632 : i32
    %dma_start3A_141 = tpu.memref_slice %arg4[%dma_start3A_140] : memref<75264xf32, #tpu.memory_space<vmem>> -> memref<9408xf32, #tpu.memory_space<vmem>>
    %dma_start3A_142 = tpu.memref_slice %arg2[%add3A_84] : memref<19267584xf32, #tpu.memory_space<hbm>> -> memref<9408xf32, #tpu.memory_space<hbm>>
    tpu.enqueue_dma source(%dma_start3A_142 : memref<9408xf32, #tpu.memory_space<hbm>>) target(%dma_start3A_141 : memref<9408xf32, #tpu.memory_space<vmem>>) target_semaphore(%dma_start3A_139 : memref<!tpu.dma_semaphore, #tpu.memory_space<semaphore_mem>>)
    %dma_start3A_143 = arith.constant 5 : i32
    %dma_start3A_144 = arith.constant 47040 : i32
    %dma_start3A_145 = tpu.memref_slice %arg4[%dma_start3A_144] : memref<75264xf32, #tpu.memory_space<vmem>> -> memref<9408xf32, #tpu.memory_space<vmem>>
    %dma_start3A_146 = tpu.memref_slice %arg2[%add3A_88] : memref<19267584xf32, #tpu.memory_space<hbm>> -> memref<9408xf32, #tpu.memory_space<hbm>>
    %dma_start3A_147 = tpu.memref_slice %arg5[%dma_start3A_143] : memref<8x!tpu.dma_semaphore, #tpu.memory_space<semaphore_mem>> -> memref<1x!tpu.dma_semaphore, #tpu.memory_space<semaphore_mem>>
    %dma_start3A_148 = tpu.memref_squeeze %dma_start3A_147 : memref<1x!tpu.dma_semaphore, #tpu.memory_space<semaphore_mem>> -> memref<!tpu.dma_semaphore, #tpu.memory_space<semaphore_mem>>
    %dma_start3A_149 = arith.constant 47040 : i32
    %dma_start3A_150 = tpu.memref_slice %arg4[%dma_start3A_149] : memref<75264xf32, #tpu.memory_space<vmem>> -> memref<9408xf32, #tpu.memory_space<vmem>>
    %dma_start3A_151 = tpu.memref_slice %arg2[%add3A_88] : memref<19267584xf32, #tpu.memory_space<hbm>> -> memref<9408xf32, #tpu.memory_space<hbm>>
    tpu.enqueue_dma source(%dma_start3A_151 : memref<9408xf32, #tpu.memory_space<hbm>>) target(%dma_start3A_150 : memref<9408xf32, #tpu.memory_space<vmem>>) target_semaphore(%dma_start3A_148 : memref<!tpu.dma_semaphore, #tpu.memory_space<semaphore_mem>>)
    %dma_start3A_152 = arith.constant 6 : i32
    %dma_start3A_153 = arith.constant 56448 : i32
    %dma_start3A_154 = tpu.memref_slice %arg4[%dma_start3A_153] : memref<75264xf32, #tpu.memory_space<vmem>> -> memref<9408xf32, #tpu.memory_space<vmem>>
    %dma_start3A_155 = tpu.memref_slice %arg2[%add3A_92] : memref<19267584xf32, #tpu.memory_space<hbm>> -> memref<9408xf32, #tpu.memory_space<hbm>>
    %dma_start3A_156 = tpu.memref_slice %arg5[%dma_start3A_152] : memref<8x!tpu.dma_semaphore, #tpu.memory_space<semaphore_mem>> -> memref<1x!tpu.dma_semaphore, #tpu.memory_space<semaphore_mem>>
    %dma_start3A_157 = tpu.memref_squeeze %dma_start3A_156 : memref<1x!tpu.dma_semaphore, #tpu.memory_space<semaphore_mem>> -> memref<!tpu.dma_semaphore, #tpu.memory_space<semaphore_mem>>
    %dma_start3A_158 = arith.constant 56448 : i32
    %dma_start3A_159 = tpu.memref_slice %arg4[%dma_start3A_158] : memref<75264xf32, #tpu.memory_space<vmem>> -> memref<9408xf32, #tpu.memory_space<vmem>>
    %dma_start3A_160 = tpu.memref_slice %arg2[%add3A_92] : memref<19267584xf32, #tpu.memory_space<hbm>> -> memref<9408xf32, #tpu.memory_space<hbm>>
    tpu.enqueue_dma source(%dma_start3A_160 : memref<9408xf32, #tpu.memory_space<hbm>>) target(%dma_start3A_159 : memref<9408xf32, #tpu.memory_space<vmem>>) target_semaphore(%dma_start3A_157 : memref<!tpu.dma_semaphore, #tpu.memory_space<semaphore_mem>>)
    %dma_start3A_161 = arith.constant 7 : i32
    %dma_start3A_162 = arith.constant 65856 : i32
    %dma_start3A_163 = tpu.memref_slice %arg4[%dma_start3A_162] : memref<75264xf32, #tpu.memory_space<vmem>> -> memref<9408xf32, #tpu.memory_space<vmem>>
    %dma_start3A_164 = tpu.memref_slice %arg2[%add3A_96] : memref<19267584xf32, #tpu.memory_space<hbm>> -> memref<9408xf32, #tpu.memory_space<hbm>>
    %dma_start3A_165 = tpu.memref_slice %arg5[%dma_start3A_161] : memref<8x!tpu.dma_semaphore, #tpu.memory_space<semaphore_mem>> -> memref<1x!tpu.dma_semaphore, #tpu.memory_space<semaphore_mem>>
    %dma_start3A_166 = tpu.memref_squeeze %dma_start3A_165 : memref<1x!tpu.dma_semaphore, #tpu.memory_space<semaphore_mem>> -> memref<!tpu.dma_semaphore, #tpu.memory_space<semaphore_mem>>
    %dma_start3A_167 = arith.constant 65856 : i32
    %dma_start3A_168 = tpu.memref_slice %arg4[%dma_start3A_167] : memref<75264xf32, #tpu.memory_space<vmem>> -> memref<9408xf32, #tpu.memory_space<vmem>>
    %dma_start3A_169 = tpu.memref_slice %arg2[%add3A_96] : memref<19267584xf32, #tpu.memory_space<hbm>> -> memref<9408xf32, #tpu.memory_space<hbm>>
    tpu.enqueue_dma source(%dma_start3A_169 : memref<9408xf32, #tpu.memory_space<hbm>>) target(%dma_start3A_168 : memref<9408xf32, #tpu.memory_space<vmem>>) target_semaphore(%dma_start3A_166 : memref<!tpu.dma_semaphore, #tpu.memory_space<semaphore_mem>>)
    %dma_wait3A = arith.constant 0 : i32
    %dma_wait3A_170 = arith.constant 0 : i32
    %dma_wait3A_171 = tpu.memref_slice %arg4[%dma_wait3A_170] : memref<75264xf32, #tpu.memory_space<vmem>> -> memref<9408xf32, #tpu.memory_space<vmem>>
    %dma_wait3A_172 = tpu.memref_slice %arg2[%add3A_68] : memref<19267584xf32, #tpu.memory_space<hbm>> -> memref<9408xf32, #tpu.memory_space<hbm>>
    %dma_wait3A_173 = tpu.memref_slice %arg5[%dma_wait3A] : memref<8x!tpu.dma_semaphore, #tpu.memory_space<semaphore_mem>> -> memref<1x!tpu.dma_semaphore, #tpu.memory_space<semaphore_mem>>
    %dma_wait3A_174 = tpu.memref_squeeze %dma_wait3A_173 : memref<1x!tpu.dma_semaphore, #tpu.memory_space<semaphore_mem>> -> memref<!tpu.dma_semaphore, #tpu.memory_space<semaphore_mem>>
    %dma_wait3A_175 = arith.constant 0 : i32
    %dma_wait3A_176 = tpu.memref_slice %arg4[%dma_wait3A_175] : memref<75264xf32, #tpu.memory_space<vmem>> -> memref<9408xf32, #tpu.memory_space<vmem>>
    %dma_wait3A_177 = tpu.memref_slice %arg2[%add3A_68] : memref<19267584xf32, #tpu.memory_space<hbm>> -> memref<9408xf32, #tpu.memory_space<hbm>>
    tpu.wait_dma2 semaphore(%dma_wait3A_174 : memref<!tpu.dma_semaphore, #tpu.memory_space<semaphore_mem>>) src(%dma_wait3A_177 : memref<9408xf32, #tpu.memory_space<hbm>>) dst(%dma_wait3A_176 : memref<9408xf32, #tpu.memory_space<vmem>>)
    %dma_start3A_178 = arith.constant 0 : i32
    %dma_start3A_179 = arith.constant 0 : i32
    %dma_start3A_180 = tpu.memref_slice %arg4[%dma_start3A_179] : memref<75264xf32, #tpu.memory_space<vmem>> -> memref<9408xf32, #tpu.memory_space<vmem>>
    %dma_start3A_181 = tpu.memref_slice %arg3[%add3A_70] : memref<2408448xf32, #tpu.memory_space<hbm>> -> memref<9408xf32, #tpu.memory_space<hbm>>
    %dma_start3A_182 = tpu.memref_slice %arg6[%dma_start3A_178] : memref<8x!tpu.dma_semaphore, #tpu.memory_space<semaphore_mem>> -> memref<1x!tpu.dma_semaphore, #tpu.memory_space<semaphore_mem>>
    %dma_start3A_183 = tpu.memref_squeeze %dma_start3A_182 : memref<1x!tpu.dma_semaphore, #tpu.memory_space<semaphore_mem>> -> memref<!tpu.dma_semaphore, #tpu.memory_space<semaphore_mem>>
    %dma_start3A_184 = tpu.memref_slice %arg3[%add3A_70] : memref<2408448xf32, #tpu.memory_space<hbm>> -> memref<9408xf32, #tpu.memory_space<hbm>>
    %dma_start3A_185 = arith.constant 0 : i32
    %dma_start3A_186 = tpu.memref_slice %arg4[%dma_start3A_185] : memref<75264xf32, #tpu.memory_space<vmem>> -> memref<9408xf32, #tpu.memory_space<vmem>>
    tpu.enqueue_dma source(%dma_start3A_186 : memref<9408xf32, #tpu.memory_space<vmem>>) target(%dma_start3A_184 : memref<9408xf32, #tpu.memory_space<hbm>>) target_semaphore(%dma_start3A_183 : memref<!tpu.dma_semaphore, #tpu.memory_space<semaphore_mem>>)
    %dma_wait3A_187 = arith.constant 1 : i32
    %dma_wait3A_188 = arith.constant 9408 : i32
    %dma_wait3A_189 = tpu.memref_slice %arg4[%dma_wait3A_188] : memref<75264xf32, #tpu.memory_space<vmem>> -> memref<9408xf32, #tpu.memory_space<vmem>>
    %dma_wait3A_190 = tpu.memref_slice %arg2[%add3A_72] : memref<19267584xf32, #tpu.memory_space<hbm>> -> memref<9408xf32, #tpu.memory_space<hbm>>
    %dma_wait3A_191 = tpu.memref_slice %arg5[%dma_wait3A_187] : memref<8x!tpu.dma_semaphore, #tpu.memory_space<semaphore_mem>> -> memref<1x!tpu.dma_semaphore, #tpu.memory_space<semaphore_mem>>
    %dma_wait3A_192 = tpu.memref_squeeze %dma_wait3A_191 : memref<1x!tpu.dma_semaphore, #tpu.memory_space<semaphore_mem>> -> memref<!tpu.dma_semaphore, #tpu.memory_space<semaphore_mem>>
    %dma_wait3A_193 = arith.constant 9408 : i32
    %dma_wait3A_194 = tpu.memref_slice %arg4[%dma_wait3A_193] : memref<75264xf32, #tpu.memory_space<vmem>> -> memref<9408xf32, #tpu.memory_space<vmem>>
    %dma_wait3A_195 = tpu.memref_slice %arg2[%add3A_72] : memref<19267584xf32, #tpu.memory_space<hbm>> -> memref<9408xf32, #tpu.memory_space<hbm>>
    tpu.wait_dma2 semaphore(%dma_wait3A_192 : memref<!tpu.dma_semaphore, #tpu.memory_space<semaphore_mem>>) src(%dma_wait3A_195 : memref<9408xf32, #tpu.memory_space<hbm>>) dst(%dma_wait3A_194 : memref<9408xf32, #tpu.memory_space<vmem>>)
    %dma_start3A_196 = arith.constant 1 : i32
    %dma_start3A_197 = arith.constant 9408 : i32
    %dma_start3A_198 = tpu.memref_slice %arg4[%dma_start3A_197] : memref<75264xf32, #tpu.memory_space<vmem>> -> memref<9408xf32, #tpu.memory_space<vmem>>
    %dma_start3A_199 = tpu.memref_slice %arg3[%add3A_74] : memref<2408448xf32, #tpu.memory_space<hbm>> -> memref<9408xf32, #tpu.memory_space<hbm>>
    %dma_start3A_200 = tpu.memref_slice %arg6[%dma_start3A_196] : memref<8x!tpu.dma_semaphore, #tpu.memory_space<semaphore_mem>> -> memref<1x!tpu.dma_semaphore, #tpu.memory_space<semaphore_mem>>
    %dma_start3A_201 = tpu.memref_squeeze %dma_start3A_200 : memref<1x!tpu.dma_semaphore, #tpu.memory_space<semaphore_mem>> -> memref<!tpu.dma_semaphore, #tpu.memory_space<semaphore_mem>>
    %dma_start3A_202 = tpu.memref_slice %arg3[%add3A_74] : memref<2408448xf32, #tpu.memory_space<hbm>> -> memref<9408xf32, #tpu.memory_space<hbm>>
    %dma_start3A_203 = arith.constant 9408 : i32
    %dma_start3A_204 = tpu.memref_slice %arg4[%dma_start3A_203] : memref<75264xf32, #tpu.memory_space<vmem>> -> memref<9408xf32, #tpu.memory_space<vmem>>
    tpu.enqueue_dma source(%dma_start3A_204 : memref<9408xf32, #tpu.memory_space<vmem>>) target(%dma_start3A_202 : memref<9408xf32, #tpu.memory_space<hbm>>) target_semaphore(%dma_start3A_201 : memref<!tpu.dma_semaphore, #tpu.memory_space<semaphore_mem>>)
    %dma_wait3A_205 = arith.constant 2 : i32
    %dma_wait3A_206 = arith.constant 18816 : i32
    %dma_wait3A_207 = tpu.memref_slice %arg4[%dma_wait3A_206] : memref<75264xf32, #tpu.memory_space<vmem>> -> memref<9408xf32, #tpu.memory_space<vmem>>
    %dma_wait3A_208 = tpu.memref_slice %arg2[%add3A_76] : memref<19267584xf32, #tpu.memory_space<hbm>> -> memref<9408xf32, #tpu.memory_space<hbm>>
    %dma_wait3A_209 = tpu.memref_slice %arg5[%dma_wait3A_205] : memref<8x!tpu.dma_semaphore, #tpu.memory_space<semaphore_mem>> -> memref<1x!tpu.dma_semaphore, #tpu.memory_space<semaphore_mem>>
    %dma_wait3A_210 = tpu.memref_squeeze %dma_wait3A_209 : memref<1x!tpu.dma_semaphore, #tpu.memory_space<semaphore_mem>> -> memref<!tpu.dma_semaphore, #tpu.memory_space<semaphore_mem>>
    %dma_wait3A_211 = arith.constant 18816 : i32
    %dma_wait3A_212 = tpu.memref_slice %arg4[%dma_wait3A_211] : memref<75264xf32, #tpu.memory_space<vmem>> -> memref<9408xf32, #tpu.memory_space<vmem>>
    %dma_wait3A_213 = tpu.memref_slice %arg2[%add3A_76] : memref<19267584xf32, #tpu.memory_space<hbm>> -> memref<9408xf32, #tpu.memory_space<hbm>>
    tpu.wait_dma2 semaphore(%dma_wait3A_210 : memref<!tpu.dma_semaphore, #tpu.memory_space<semaphore_mem>>) src(%dma_wait3A_213 : memref<9408xf32, #tpu.memory_space<hbm>>) dst(%dma_wait3A_212 : memref<9408xf32, #tpu.memory_space<vmem>>)
    %dma_start3A_214 = arith.constant 2 : i32
    %dma_start3A_215 = arith.constant 18816 : i32
    %dma_start3A_216 = tpu.memref_slice %arg4[%dma_start3A_215] : memref<75264xf32, #tpu.memory_space<vmem>> -> memref<9408xf32, #tpu.memory_space<vmem>>
    %dma_start3A_217 = tpu.memref_slice %arg3[%add3A_78] : memref<2408448xf32, #tpu.memory_space<hbm>> -> memref<9408xf32, #tpu.memory_space<hbm>>
    %dma_start3A_218 = tpu.memref_slice %arg6[%dma_start3A_214] : memref<8x!tpu.dma_semaphore, #tpu.memory_space<semaphore_mem>> -> memref<1x!tpu.dma_semaphore, #tpu.memory_space<semaphore_mem>>
    %dma_start3A_219 = tpu.memref_squeeze %dma_start3A_218 : memref<1x!tpu.dma_semaphore, #tpu.memory_space<semaphore_mem>> -> memref<!tpu.dma_semaphore, #tpu.memory_space<semaphore_mem>>
    %dma_start3A_220 = tpu.memref_slice %arg3[%add3A_78] : memref<2408448xf32, #tpu.memory_space<hbm>> -> memref<9408xf32, #tpu.memory_space<hbm>>
    %dma_start3A_221 = arith.constant 18816 : i32
    %dma_start3A_222 = tpu.memref_slice %arg4[%dma_start3A_221] : memref<75264xf32, #tpu.memory_space<vmem>> -> memref<9408xf32, #tpu.memory_space<vmem>>
    tpu.enqueue_dma source(%dma_start3A_222 : memref<9408xf32, #tpu.memory_space<vmem>>) target(%dma_start3A_220 : memref<9408xf32, #tpu.memory_space<hbm>>) target_semaphore(%dma_start3A_219 : memref<!tpu.dma_semaphore, #tpu.memory_space<semaphore_mem>>)
    %dma_wait3A_223 = arith.constant 3 : i32
    %dma_wait3A_224 = arith.constant 28224 : i32
    %dma_wait3A_225 = tpu.memref_slice %arg4[%dma_wait3A_224] : memref<75264xf32, #tpu.memory_space<vmem>> -> memref<9408xf32, #tpu.memory_space<vmem>>
    %dma_wait3A_226 = tpu.memref_slice %arg2[%add3A_80] : memref<19267584xf32, #tpu.memory_space<hbm>> -> memref<9408xf32, #tpu.memory_space<hbm>>
    %dma_wait3A_227 = tpu.memref_slice %arg5[%dma_wait3A_223] : memref<8x!tpu.dma_semaphore, #tpu.memory_space<semaphore_mem>> -> memref<1x!tpu.dma_semaphore, #tpu.memory_space<semaphore_mem>>
    %dma_wait3A_228 = tpu.memref_squeeze %dma_wait3A_227 : memref<1x!tpu.dma_semaphore, #tpu.memory_space<semaphore_mem>> -> memref<!tpu.dma_semaphore, #tpu.memory_space<semaphore_mem>>
    %dma_wait3A_229 = arith.constant 28224 : i32
    %dma_wait3A_230 = tpu.memref_slice %arg4[%dma_wait3A_229] : memref<75264xf32, #tpu.memory_space<vmem>> -> memref<9408xf32, #tpu.memory_space<vmem>>
    %dma_wait3A_231 = tpu.memref_slice %arg2[%add3A_80] : memref<19267584xf32, #tpu.memory_space<hbm>> -> memref<9408xf32, #tpu.memory_space<hbm>>
    tpu.wait_dma2 semaphore(%dma_wait3A_228 : memref<!tpu.dma_semaphore, #tpu.memory_space<semaphore_mem>>) src(%dma_wait3A_231 : memref<9408xf32, #tpu.memory_space<hbm>>) dst(%dma_wait3A_230 : memref<9408xf32, #tpu.memory_space<vmem>>)
    %dma_start3A_232 = arith.constant 3 : i32
    %dma_start3A_233 = arith.constant 28224 : i32
    %dma_start3A_234 = tpu.memref_slice %arg4[%dma_start3A_233] : memref<75264xf32, #tpu.memory_space<vmem>> -> memref<9408xf32, #tpu.memory_space<vmem>>
    %dma_start3A_235 = tpu.memref_slice %arg3[%add3A_82] : memref<2408448xf32, #tpu.memory_space<hbm>> -> memref<9408xf32, #tpu.memory_space<hbm>>
    %dma_start3A_236 = tpu.memref_slice %arg6[%dma_start3A_232] : memref<8x!tpu.dma_semaphore, #tpu.memory_space<semaphore_mem>> -> memref<1x!tpu.dma_semaphore, #tpu.memory_space<semaphore_mem>>
    %dma_start3A_237 = tpu.memref_squeeze %dma_start3A_236 : memref<1x!tpu.dma_semaphore, #tpu.memory_space<semaphore_mem>> -> memref<!tpu.dma_semaphore, #tpu.memory_space<semaphore_mem>>
    %dma_start3A_238 = tpu.memref_slice %arg3[%add3A_82] : memref<2408448xf32, #tpu.memory_space<hbm>> -> memref<9408xf32, #tpu.memory_space<hbm>>
    %dma_start3A_239 = arith.constant 28224 : i32
    %dma_start3A_240 = tpu.memref_slice %arg4[%dma_start3A_239] : memref<75264xf32, #tpu.memory_space<vmem>> -> memref<9408xf32, #tpu.memory_space<vmem>>
    tpu.enqueue_dma source(%dma_start3A_240 : memref<9408xf32, #tpu.memory_space<vmem>>) target(%dma_start3A_238 : memref<9408xf32, #tpu.memory_space<hbm>>) target_semaphore(%dma_start3A_237 : memref<!tpu.dma_semaphore, #tpu.memory_space<semaphore_mem>>)
    %dma_wait3A_241 = arith.constant 4 : i32
    %dma_wait3A_242 = arith.constant 37632 : i32
    %dma_wait3A_243 = tpu.memref_slice %arg4[%dma_wait3A_242] : memref<75264xf32, #tpu.memory_space<vmem>> -> memref<9408xf32, #tpu.memory_space<vmem>>
    %dma_wait3A_244 = tpu.memref_slice %arg2[%add3A_84] : memref<19267584xf32, #tpu.memory_space<hbm>> -> memref<9408xf32, #tpu.memory_space<hbm>>
    %dma_wait3A_245 = tpu.memref_slice %arg5[%dma_wait3A_241] : memref<8x!tpu.dma_semaphore, #tpu.memory_space<semaphore_mem>> -> memref<1x!tpu.dma_semaphore, #tpu.memory_space<semaphore_mem>>
    %dma_wait3A_246 = tpu.memref_squeeze %dma_wait3A_245 : memref<1x!tpu.dma_semaphore, #tpu.memory_space<semaphore_mem>> -> memref<!tpu.dma_semaphore, #tpu.memory_space<semaphore_mem>>
    %dma_wait3A_247 = arith.constant 37632 : i32
    %dma_wait3A_248 = tpu.memref_slice %arg4[%dma_wait3A_247] : memref<75264xf32, #tpu.memory_space<vmem>> -> memref<9408xf32, #tpu.memory_space<vmem>>
    %dma_wait3A_249 = tpu.memref_slice %arg2[%add3A_84] : memref<19267584xf32, #tpu.memory_space<hbm>> -> memref<9408xf32, #tpu.memory_space<hbm>>
    tpu.wait_dma2 semaphore(%dma_wait3A_246 : memref<!tpu.dma_semaphore, #tpu.memory_space<semaphore_mem>>) src(%dma_wait3A_249 : memref<9408xf32, #tpu.memory_space<hbm>>) dst(%dma_wait3A_248 : memref<9408xf32, #tpu.memory_space<vmem>>)
    %dma_start3A_250 = arith.constant 4 : i32
    %dma_start3A_251 = arith.constant 37632 : i32
    %dma_start3A_252 = tpu.memref_slice %arg4[%dma_start3A_251] : memref<75264xf32, #tpu.memory_space<vmem>> -> memref<9408xf32, #tpu.memory_space<vmem>>
    %dma_start3A_253 = tpu.memref_slice %arg3[%add3A_86] : memref<2408448xf32, #tpu.memory_space<hbm>> -> memref<9408xf32, #tpu.memory_space<hbm>>
    %dma_start3A_254 = tpu.memref_slice %arg6[%dma_start3A_250] : memref<8x!tpu.dma_semaphore, #tpu.memory_space<semaphore_mem>> -> memref<1x!tpu.dma_semaphore, #tpu.memory_space<semaphore_mem>>
    %dma_start3A_255 = tpu.memref_squeeze %dma_start3A_254 : memref<1x!tpu.dma_semaphore, #tpu.memory_space<semaphore_mem>> -> memref<!tpu.dma_semaphore, #tpu.memory_space<semaphore_mem>>
    %dma_start3A_256 = tpu.memref_slice %arg3[%add3A_86] : memref<2408448xf32, #tpu.memory_space<hbm>> -> memref<9408xf32, #tpu.memory_space<hbm>>
    %dma_start3A_257 = arith.constant 37632 : i32
    %dma_start3A_258 = tpu.memref_slice %arg4[%dma_start3A_257] : memref<75264xf32, #tpu.memory_space<vmem>> -> memref<9408xf32, #tpu.memory_space<vmem>>
    tpu.enqueue_dma source(%dma_start3A_258 : memref<9408xf32, #tpu.memory_space<vmem>>) target(%dma_start3A_256 : memref<9408xf32, #tpu.memory_space<hbm>>) target_semaphore(%dma_start3A_255 : memref<!tpu.dma_semaphore, #tpu.memory_space<semaphore_mem>>)
    %dma_wait3A_259 = arith.constant 5 : i32
    %dma_wait3A_260 = arith.constant 47040 : i32
    %dma_wait3A_261 = tpu.memref_slice %arg4[%dma_wait3A_260] : memref<75264xf32, #tpu.memory_space<vmem>> -> memref<9408xf32, #tpu.memory_space<vmem>>
    %dma_wait3A_262 = tpu.memref_slice %arg2[%add3A_88] : memref<19267584xf32, #tpu.memory_space<hbm>> -> memref<9408xf32, #tpu.memory_space<hbm>>
    %dma_wait3A_263 = tpu.memref_slice %arg5[%dma_wait3A_259] : memref<8x!tpu.dma_semaphore, #tpu.memory_space<semaphore_mem>> -> memref<1x!tpu.dma_semaphore, #tpu.memory_space<semaphore_mem>>
    %dma_wait3A_264 = tpu.memref_squeeze %dma_wait3A_263 : memref<1x!tpu.dma_semaphore, #tpu.memory_space<semaphore_mem>> -> memref<!tpu.dma_semaphore, #tpu.memory_space<semaphore_mem>>
    %dma_wait3A_265 = arith.constant 47040 : i32
    %dma_wait3A_266 = tpu.memref_slice %arg4[%dma_wait3A_265] : memref<75264xf32, #tpu.memory_space<vmem>> -> memref<9408xf32, #tpu.memory_space<vmem>>
    %dma_wait3A_267 = tpu.memref_slice %arg2[%add3A_88] : memref<19267584xf32, #tpu.memory_space<hbm>> -> memref<9408xf32, #tpu.memory_space<hbm>>
    tpu.wait_dma2 semaphore(%dma_wait3A_264 : memref<!tpu.dma_semaphore, #tpu.memory_space<semaphore_mem>>) src(%dma_wait3A_267 : memref<9408xf32, #tpu.memory_space<hbm>>) dst(%dma_wait3A_266 : memref<9408xf32, #tpu.memory_space<vmem>>)
    %dma_start3A_268 = arith.constant 5 : i32
    %dma_start3A_269 = arith.constant 47040 : i32
    %dma_start3A_270 = tpu.memref_slice %arg4[%dma_start3A_269] : memref<75264xf32, #tpu.memory_space<vmem>> -> memref<9408xf32, #tpu.memory_space<vmem>>
    %dma_start3A_271 = tpu.memref_slice %arg3[%add3A_90] : memref<2408448xf32, #tpu.memory_space<hbm>> -> memref<9408xf32, #tpu.memory_space<hbm>>
    %dma_start3A_272 = tpu.memref_slice %arg6[%dma_start3A_268] : memref<8x!tpu.dma_semaphore, #tpu.memory_space<semaphore_mem>> -> memref<1x!tpu.dma_semaphore, #tpu.memory_space<semaphore_mem>>
    %dma_start3A_273 = tpu.memref_squeeze %dma_start3A_272 : memref<1x!tpu.dma_semaphore, #tpu.memory_space<semaphore_mem>> -> memref<!tpu.dma_semaphore, #tpu.memory_space<semaphore_mem>>
    %dma_start3A_274 = tpu.memref_slice %arg3[%add3A_90] : memref<2408448xf32, #tpu.memory_space<hbm>> -> memref<9408xf32, #tpu.memory_space<hbm>>
    %dma_start3A_275 = arith.constant 47040 : i32
    %dma_start3A_276 = tpu.memref_slice %arg4[%dma_start3A_275] : memref<75264xf32, #tpu.memory_space<vmem>> -> memref<9408xf32, #tpu.memory_space<vmem>>
    tpu.enqueue_dma source(%dma_start3A_276 : memref<9408xf32, #tpu.memory_space<vmem>>) target(%dma_start3A_274 : memref<9408xf32, #tpu.memory_space<hbm>>) target_semaphore(%dma_start3A_273 : memref<!tpu.dma_semaphore, #tpu.memory_space<semaphore_mem>>)
    %dma_wait3A_277 = arith.constant 6 : i32
    %dma_wait3A_278 = arith.constant 56448 : i32
    %dma_wait3A_279 = tpu.memref_slice %arg4[%dma_wait3A_278] : memref<75264xf32, #tpu.memory_space<vmem>> -> memref<9408xf32, #tpu.memory_space<vmem>>
    %dma_wait3A_280 = tpu.memref_slice %arg2[%add3A_92] : memref<19267584xf32, #tpu.memory_space<hbm>> -> memref<9408xf32, #tpu.memory_space<hbm>>
    %dma_wait3A_281 = tpu.memref_slice %arg5[%dma_wait3A_277] : memref<8x!tpu.dma_semaphore, #tpu.memory_space<semaphore_mem>> -> memref<1x!tpu.dma_semaphore, #tpu.memory_space<semaphore_mem>>
    %dma_wait3A_282 = tpu.memref_squeeze %dma_wait3A_281 : memref<1x!tpu.dma_semaphore, #tpu.memory_space<semaphore_mem>> -> memref<!tpu.dma_semaphore, #tpu.memory_space<semaphore_mem>>
    %dma_wait3A_283 = arith.constant 56448 : i32
    %dma_wait3A_284 = tpu.memref_slice %arg4[%dma_wait3A_283] : memref<75264xf32, #tpu.memory_space<vmem>> -> memref<9408xf32, #tpu.memory_space<vmem>>
    %dma_wait3A_285 = tpu.memref_slice %arg2[%add3A_92] : memref<19267584xf32, #tpu.memory_space<hbm>> -> memref<9408xf32, #tpu.memory_space<hbm>>
    tpu.wait_dma2 semaphore(%dma_wait3A_282 : memref<!tpu.dma_semaphore, #tpu.memory_space<semaphore_mem>>) src(%dma_wait3A_285 : memref<9408xf32, #tpu.memory_space<hbm>>) dst(%dma_wait3A_284 : memref<9408xf32, #tpu.memory_space<vmem>>)
    %dma_start3A_286 = arith.constant 6 : i32
    %dma_start3A_287 = arith.constant 56448 : i32
    %dma_start3A_288 = tpu.memref_slice %arg4[%dma_start3A_287] : memref<75264xf32, #tpu.memory_space<vmem>> -> memref<9408xf32, #tpu.memory_space<vmem>>
    %dma_start3A_289 = tpu.memref_slice %arg3[%add3A_94] : memref<2408448xf32, #tpu.memory_space<hbm>> -> memref<9408xf32, #tpu.memory_space<hbm>>
    %dma_start3A_290 = tpu.memref_slice %arg6[%dma_start3A_286] : memref<8x!tpu.dma_semaphore, #tpu.memory_space<semaphore_mem>> -> memref<1x!tpu.dma_semaphore, #tpu.memory_space<semaphore_mem>>
    %dma_start3A_291 = tpu.memref_squeeze %dma_start3A_290 : memref<1x!tpu.dma_semaphore, #tpu.memory_space<semaphore_mem>> -> memref<!tpu.dma_semaphore, #tpu.memory_space<semaphore_mem>>
    %dma_start3A_292 = tpu.memref_slice %arg3[%add3A_94] : memref<2408448xf32, #tpu.memory_space<hbm>> -> memref<9408xf32, #tpu.memory_space<hbm>>
    %dma_start3A_293 = arith.constant 56448 : i32
    %dma_start3A_294 = tpu.memref_slice %arg4[%dma_start3A_293] : memref<75264xf32, #tpu.memory_space<vmem>> -> memref<9408xf32, #tpu.memory_space<vmem>>
    tpu.enqueue_dma source(%dma_start3A_294 : memref<9408xf32, #tpu.memory_space<vmem>>) target(%dma_start3A_292 : memref<9408xf32, #tpu.memory_space<hbm>>) target_semaphore(%dma_start3A_291 : memref<!tpu.dma_semaphore, #tpu.memory_space<semaphore_mem>>)
    %dma_wait3A_295 = arith.constant 7 : i32
    %dma_wait3A_296 = arith.constant 65856 : i32
    %dma_wait3A_297 = tpu.memref_slice %arg4[%dma_wait3A_296] : memref<75264xf32, #tpu.memory_space<vmem>> -> memref<9408xf32, #tpu.memory_space<vmem>>
    %dma_wait3A_298 = tpu.memref_slice %arg2[%add3A_96] : memref<19267584xf32, #tpu.memory_space<hbm>> -> memref<9408xf32, #tpu.memory_space<hbm>>
    %dma_wait3A_299 = tpu.memref_slice %arg5[%dma_wait3A_295] : memref<8x!tpu.dma_semaphore, #tpu.memory_space<semaphore_mem>> -> memref<1x!tpu.dma_semaphore, #tpu.memory_space<semaphore_mem>>
    %dma_wait3A_300 = tpu.memref_squeeze %dma_wait3A_299 : memref<1x!tpu.dma_semaphore, #tpu.memory_space<semaphore_mem>> -> memref<!tpu.dma_semaphore, #tpu.memory_space<semaphore_mem>>
    %dma_wait3A_301 = arith.constant 65856 : i32
    %dma_wait3A_302 = tpu.memref_slice %arg4[%dma_wait3A_301] : memref<75264xf32, #tpu.memory_space<vmem>> -> memref<9408xf32, #tpu.memory_space<vmem>>
    %dma_wait3A_303 = tpu.memref_slice %arg2[%add3A_96] : memref<19267584xf32, #tpu.memory_space<hbm>> -> memref<9408xf32, #tpu.memory_space<hbm>>
    tpu.wait_dma2 semaphore(%dma_wait3A_300 : memref<!tpu.dma_semaphore, #tpu.memory_space<semaphore_mem>>) src(%dma_wait3A_303 : memref<9408xf32, #tpu.memory_space<hbm>>) dst(%dma_wait3A_302 : memref<9408xf32, #tpu.memory_space<vmem>>)
    %dma_start3A_304 = arith.constant 7 : i32
    %dma_start3A_305 = arith.constant 65856 : i32
    %dma_start3A_306 = tpu.memref_slice %arg4[%dma_start3A_305] : memref<75264xf32, #tpu.memory_space<vmem>> -> memref<9408xf32, #tpu.memory_space<vmem>>
    %dma_start3A_307 = tpu.memref_slice %arg3[%add3A_98] : memref<2408448xf32, #tpu.memory_space<hbm>> -> memref<9408xf32, #tpu.memory_space<hbm>>
    %dma_start3A_308 = tpu.memref_slice %arg6[%dma_start3A_304] : memref<8x!tpu.dma_semaphore, #tpu.memory_space<semaphore_mem>> -> memref<1x!tpu.dma_semaphore, #tpu.memory_space<semaphore_mem>>
    %dma_start3A_309 = tpu.memref_squeeze %dma_start3A_308 : memref<1x!tpu.dma_semaphore, #tpu.memory_space<semaphore_mem>> -> memref<!tpu.dma_semaphore, #tpu.memory_space<semaphore_mem>>
    %dma_start3A_310 = tpu.memref_slice %arg3[%add3A_98] : memref<2408448xf32, #tpu.memory_space<hbm>> -> memref<9408xf32, #tpu.memory_space<hbm>>
    %dma_start3A_311 = arith.constant 65856 : i32
    %dma_start3A_312 = tpu.memref_slice %arg4[%dma_start3A_311] : memref<75264xf32, #tpu.memory_space<vmem>> -> memref<9408xf32, #tpu.memory_space<vmem>>
    tpu.enqueue_dma source(%dma_start3A_312 : memref<9408xf32, #tpu.memory_space<vmem>>) target(%dma_start3A_310 : memref<9408xf32, #tpu.memory_space<hbm>>) target_semaphore(%dma_start3A_309 : memref<!tpu.dma_semaphore, #tpu.memory_space<semaphore_mem>>)
    %dma_wait3A_313 = arith.constant 0 : i32
    %dma_wait3A_314 = arith.constant 0 : i32
    %dma_wait3A_315 = tpu.memref_slice %arg4[%dma_wait3A_314] : memref<75264xf32, #tpu.memory_space<vmem>> -> memref<9408xf32, #tpu.memory_space<vmem>>
    %dma_wait3A_316 = tpu.memref_slice %arg3[%add3A_70] : memref<2408448xf32, #tpu.memory_space<hbm>> -> memref<9408xf32, #tpu.memory_space<hbm>>
    %dma_wait3A_317 = tpu.memref_slice %arg6[%dma_wait3A_313] : memref<8x!tpu.dma_semaphore, #tpu.memory_space<semaphore_mem>> -> memref<1x!tpu.dma_semaphore, #tpu.memory_space<semaphore_mem>>
    %dma_wait3A_318 = tpu.memref_squeeze %dma_wait3A_317 : memref<1x!tpu.dma_semaphore, #tpu.memory_space<semaphore_mem>> -> memref<!tpu.dma_semaphore, #tpu.memory_space<semaphore_mem>>
    %dma_wait3A_319 = tpu.memref_slice %arg3[%add3A_70] : memref<2408448xf32, #tpu.memory_space<hbm>> -> memref<9408xf32, #tpu.memory_space<hbm>>
    %dma_wait3A_320 = arith.constant 0 : i32
    %dma_wait3A_321 = tpu.memref_slice %arg4[%dma_wait3A_320] : memref<75264xf32, #tpu.memory_space<vmem>> -> memref<9408xf32, #tpu.memory_space<vmem>>
    tpu.wait_dma2 semaphore(%dma_wait3A_318 : memref<!tpu.dma_semaphore, #tpu.memory_space<semaphore_mem>>) src(%dma_wait3A_321 : memref<9408xf32, #tpu.memory_space<vmem>>) dst(%dma_wait3A_319 : memref<9408xf32, #tpu.memory_space<hbm>>)
    %dma_wait3A_322 = arith.constant 1 : i32
    %dma_wait3A_323 = arith.constant 9408 : i32
    %dma_wait3A_324 = tpu.memref_slice %arg4[%dma_wait3A_323] : memref<75264xf32, #tpu.memory_space<vmem>> -> memref<9408xf32, #tpu.memory_space<vmem>>
    %dma_wait3A_325 = tpu.memref_slice %arg3[%add3A_74] : memref<2408448xf32, #tpu.memory_space<hbm>> -> memref<9408xf32, #tpu.memory_space<hbm>>
    %dma_wait3A_326 = tpu.memref_slice %arg6[%dma_wait3A_322] : memref<8x!tpu.dma_semaphore, #tpu.memory_space<semaphore_mem>> -> memref<1x!tpu.dma_semaphore, #tpu.memory_space<semaphore_mem>>
    %dma_wait3A_327 = tpu.memref_squeeze %dma_wait3A_326 : memref<1x!tpu.dma_semaphore, #tpu.memory_space<semaphore_mem>> -> memref<!tpu.dma_semaphore, #tpu.memory_space<semaphore_mem>>
    %dma_wait3A_328 = tpu.memref_slice %arg3[%add3A_74] : memref<2408448xf32, #tpu.memory_space<hbm>> -> memref<9408xf32, #tpu.memory_space<hbm>>
    %dma_wait3A_329 = arith.constant 9408 : i32
    %dma_wait3A_330 = tpu.memref_slice %arg4[%dma_wait3A_329] : memref<75264xf32, #tpu.memory_space<vmem>> -> memref<9408xf32, #tpu.memory_space<vmem>>
    tpu.wait_dma2 semaphore(%dma_wait3A_327 : memref<!tpu.dma_semaphore, #tpu.memory_space<semaphore_mem>>) src(%dma_wait3A_330 : memref<9408xf32, #tpu.memory_space<vmem>>) dst(%dma_wait3A_328 : memref<9408xf32, #tpu.memory_space<hbm>>)
    %dma_wait3A_331 = arith.constant 2 : i32
    %dma_wait3A_332 = arith.constant 18816 : i32
    %dma_wait3A_333 = tpu.memref_slice %arg4[%dma_wait3A_332] : memref<75264xf32, #tpu.memory_space<vmem>> -> memref<9408xf32, #tpu.memory_space<vmem>>
    %dma_wait3A_334 = tpu.memref_slice %arg3[%add3A_78] : memref<2408448xf32, #tpu.memory_space<hbm>> -> memref<9408xf32, #tpu.memory_space<hbm>>
    %dma_wait3A_335 = tpu.memref_slice %arg6[%dma_wait3A_331] : memref<8x!tpu.dma_semaphore, #tpu.memory_space<semaphore_mem>> -> memref<1x!tpu.dma_semaphore, #tpu.memory_space<semaphore_mem>>
    %dma_wait3A_336 = tpu.memref_squeeze %dma_wait3A_335 : memref<1x!tpu.dma_semaphore, #tpu.memory_space<semaphore_mem>> -> memref<!tpu.dma_semaphore, #tpu.memory_space<semaphore_mem>>
    %dma_wait3A_337 = tpu.memref_slice %arg3[%add3A_78] : memref<2408448xf32, #tpu.memory_space<hbm>> -> memref<9408xf32, #tpu.memory_space<hbm>>
    %dma_wait3A_338 = arith.constant 18816 : i32
    %dma_wait3A_339 = tpu.memref_slice %arg4[%dma_wait3A_338] : memref<75264xf32, #tpu.memory_space<vmem>> -> memref<9408xf32, #tpu.memory_space<vmem>>
    tpu.wait_dma2 semaphore(%dma_wait3A_336 : memref<!tpu.dma_semaphore, #tpu.memory_space<semaphore_mem>>) src(%dma_wait3A_339 : memref<9408xf32, #tpu.memory_space<vmem>>) dst(%dma_wait3A_337 : memref<9408xf32, #tpu.memory_space<hbm>>)
    %dma_wait3A_340 = arith.constant 3 : i32
    %dma_wait3A_341 = arith.constant 28224 : i32
    %dma_wait3A_342 = tpu.memref_slice %arg4[%dma_wait3A_341] : memref<75264xf32, #tpu.memory_space<vmem>> -> memref<9408xf32, #tpu.memory_space<vmem>>
    %dma_wait3A_343 = tpu.memref_slice %arg3[%add3A_82] : memref<2408448xf32, #tpu.memory_space<hbm>> -> memref<9408xf32, #tpu.memory_space<hbm>>
    %dma_wait3A_344 = tpu.memref_slice %arg6[%dma_wait3A_340] : memref<8x!tpu.dma_semaphore, #tpu.memory_space<semaphore_mem>> -> memref<1x!tpu.dma_semaphore, #tpu.memory_space<semaphore_mem>>
    %dma_wait3A_345 = tpu.memref_squeeze %dma_wait3A_344 : memref<1x!tpu.dma_semaphore, #tpu.memory_space<semaphore_mem>> -> memref<!tpu.dma_semaphore, #tpu.memory_space<semaphore_mem>>
    %dma_wait3A_346 = tpu.memref_slice %arg3[%add3A_82] : memref<2408448xf32, #tpu.memory_space<hbm>> -> memref<9408xf32, #tpu.memory_space<hbm>>
    %dma_wait3A_347 = arith.constant 28224 : i32
    %dma_wait3A_348 = tpu.memref_slice %arg4[%dma_wait3A_347] : memref<75264xf32, #tpu.memory_space<vmem>> -> memref<9408xf32, #tpu.memory_space<vmem>>
    tpu.wait_dma2 semaphore(%dma_wait3A_345 : memref<!tpu.dma_semaphore, #tpu.memory_space<semaphore_mem>>) src(%dma_wait3A_348 : memref<9408xf32, #tpu.memory_space<vmem>>) dst(%dma_wait3A_346 : memref<9408xf32, #tpu.memory_space<hbm>>)
    %dma_wait3A_349 = arith.constant 4 : i32
    %dma_wait3A_350 = arith.constant 37632 : i32
    %dma_wait3A_351 = tpu.memref_slice %arg4[%dma_wait3A_350] : memref<75264xf32, #tpu.memory_space<vmem>> -> memref<9408xf32, #tpu.memory_space<vmem>>
    %dma_wait3A_352 = tpu.memref_slice %arg3[%add3A_86] : memref<2408448xf32, #tpu.memory_space<hbm>> -> memref<9408xf32, #tpu.memory_space<hbm>>
    %dma_wait3A_353 = tpu.memref_slice %arg6[%dma_wait3A_349] : memref<8x!tpu.dma_semaphore, #tpu.memory_space<semaphore_mem>> -> memref<1x!tpu.dma_semaphore, #tpu.memory_space<semaphore_mem>>
    %dma_wait3A_354 = tpu.memref_squeeze %dma_wait3A_353 : memref<1x!tpu.dma_semaphore, #tpu.memory_space<semaphore_mem>> -> memref<!tpu.dma_semaphore, #tpu.memory_space<semaphore_mem>>
    %dma_wait3A_355 = tpu.memref_slice %arg3[%add3A_86] : memref<2408448xf32, #tpu.memory_space<hbm>> -> memref<9408xf32, #tpu.memory_space<hbm>>
    %dma_wait3A_356 = arith.constant 37632 : i32
    %dma_wait3A_357 = tpu.memref_slice %arg4[%dma_wait3A_356] : memref<75264xf32, #tpu.memory_space<vmem>> -> memref<9408xf32, #tpu.memory_space<vmem>>
    tpu.wait_dma2 semaphore(%dma_wait3A_354 : memref<!tpu.dma_semaphore, #tpu.memory_space<semaphore_mem>>) src(%dma_wait3A_357 : memref<9408xf32, #tpu.memory_space<vmem>>) dst(%dma_wait3A_355 : memref<9408xf32, #tpu.memory_space<hbm>>)
    %dma_wait3A_358 = arith.constant 5 : i32
    %dma_wait3A_359 = arith.constant 47040 : i32
    %dma_wait3A_360 = tpu.memref_slice %arg4[%dma_wait3A_359] : memref<75264xf32, #tpu.memory_space<vmem>> -> memref<9408xf32, #tpu.memory_space<vmem>>
    %dma_wait3A_361 = tpu.memref_slice %arg3[%add3A_90] : memref<2408448xf32, #tpu.memory_space<hbm>> -> memref<9408xf32, #tpu.memory_space<hbm>>
    %dma_wait3A_362 = tpu.memref_slice %arg6[%dma_wait3A_358] : memref<8x!tpu.dma_semaphore, #tpu.memory_space<semaphore_mem>> -> memref<1x!tpu.dma_semaphore, #tpu.memory_space<semaphore_mem>>
    %dma_wait3A_363 = tpu.memref_squeeze %dma_wait3A_362 : memref<1x!tpu.dma_semaphore, #tpu.memory_space<semaphore_mem>> -> memref<!tpu.dma_semaphore, #tpu.memory_space<semaphore_mem>>
    %dma_wait3A_364 = tpu.memref_slice %arg3[%add3A_90] : memref<2408448xf32, #tpu.memory_space<hbm>> -> memref<9408xf32, #tpu.memory_space<hbm>>
    %dma_wait3A_365 = arith.constant 47040 : i32
    %dma_wait3A_366 = tpu.memref_slice %arg4[%dma_wait3A_365] : memref<75264xf32, #tpu.memory_space<vmem>> -> memref<9408xf32, #tpu.memory_space<vmem>>
    tpu.wait_dma2 semaphore(%dma_wait3A_363 : memref<!tpu.dma_semaphore, #tpu.memory_space<semaphore_mem>>) src(%dma_wait3A_366 : memref<9408xf32, #tpu.memory_space<vmem>>) dst(%dma_wait3A_364 : memref<9408xf32, #tpu.memory_space<hbm>>)
    %dma_wait3A_367 = arith.constant 6 : i32
    %dma_wait3A_368 = arith.constant 56448 : i32
    %dma_wait3A_369 = tpu.memref_slice %arg4[%dma_wait3A_368] : memref<75264xf32, #tpu.memory_space<vmem>> -> memref<9408xf32, #tpu.memory_space<vmem>>
    %dma_wait3A_370 = tpu.memref_slice %arg3[%add3A_94] : memref<2408448xf32, #tpu.memory_space<hbm>> -> memref<9408xf32, #tpu.memory_space<hbm>>
    %dma_wait3A_371 = tpu.memref_slice %arg6[%dma_wait3A_367] : memref<8x!tpu.dma_semaphore, #tpu.memory_space<semaphore_mem>> -> memref<1x!tpu.dma_semaphore, #tpu.memory_space<semaphore_mem>>
    %dma_wait3A_372 = tpu.memref_squeeze %dma_wait3A_371 : memref<1x!tpu.dma_semaphore, #tpu.memory_space<semaphore_mem>> -> memref<!tpu.dma_semaphore, #tpu.memory_space<semaphore_mem>>
    %dma_wait3A_373 = tpu.memref_slice %arg3[%add3A_94] : memref<2408448xf32, #tpu.memory_space<hbm>> -> memref<9408xf32, #tpu.memory_space<hbm>>
    %dma_wait3A_374 = arith.constant 56448 : i32
    %dma_wait3A_375 = tpu.memref_slice %arg4[%dma_wait3A_374] : memref<75264xf32, #tpu.memory_space<vmem>> -> memref<9408xf32, #tpu.memory_space<vmem>>
    tpu.wait_dma2 semaphore(%dma_wait3A_372 : memref<!tpu.dma_semaphore, #tpu.memory_space<semaphore_mem>>) src(%dma_wait3A_375 : memref<9408xf32, #tpu.memory_space<vmem>>) dst(%dma_wait3A_373 : memref<9408xf32, #tpu.memory_space<hbm>>)
    %dma_wait3A_376 = arith.constant 7 : i32
    %dma_wait3A_377 = arith.constant 65856 : i32
    %dma_wait3A_378 = tpu.memref_slice %arg4[%dma_wait3A_377] : memref<75264xf32, #tpu.memory_space<vmem>> -> memref<9408xf32, #tpu.memory_space<vmem>>
    %dma_wait3A_379 = tpu.memref_slice %arg3[%add3A_98] : memref<2408448xf32, #tpu.memory_space<hbm>> -> memref<9408xf32, #tpu.memory_space<hbm>>
    %dma_wait3A_380 = tpu.memref_slice %arg6[%dma_wait3A_376] : memref<8x!tpu.dma_semaphore, #tpu.memory_space<semaphore_mem>> -> memref<1x!tpu.dma_semaphore, #tpu.memory_space<semaphore_mem>>
    %dma_wait3A_381 = tpu.memref_squeeze %dma_wait3A_380 : memref<1x!tpu.dma_semaphore, #tpu.memory_space<semaphore_mem>> -> memref<!tpu.dma_semaphore, #tpu.memory_space<semaphore_mem>>
    %dma_wait3A_382 = tpu.memref_slice %arg3[%add3A_98] : memref<2408448xf32, #tpu.memory_space<hbm>> -> memref<9408xf32, #tpu.memory_space<hbm>>
    %dma_wait3A_383 = arith.constant 65856 : i32
    %dma_wait3A_384 = tpu.memref_slice %arg4[%dma_wait3A_383] : memref<75264xf32, #tpu.memory_space<vmem>> -> memref<9408xf32, #tpu.memory_space<vmem>>
    tpu.wait_dma2 semaphore(%dma_wait3A_381 : memref<!tpu.dma_semaphore, #tpu.memory_space<semaphore_mem>>) src(%dma_wait3A_384 : memref<9408xf32, #tpu.memory_space<vmem>>) dst(%dma_wait3A_382 : memref<9408xf32, #tpu.memory_space<hbm>>)
    return
  }
}

</mosaic_0001>

<sc_bundles>
// kernel: kernel.3.cloned.1.call-start
scs
__scs_entry_jumppad:
0x0: {  	(pc) =	sbr.rel $0x88, $3  }
0x1: {  	(tag) =	ssettag $0x0;
	lr =	simm.s32 $0x1  }
0x2: {  	[smem:$0x3FA0] =	sst lr;
	_ =	strace $0xD0000000  }
0x3: {  	_ = 	snop  }
0x4: {  	_ = 	snop  }
0x5: {  	_ = 	snop  }
0x6: {  	_ = 	snop  }
0x7: {  	_ = 	snop  }
__scs_overlays_trampoline_lowered:
0x8: {  	[smem:$0x3FAF] =	sst s0  }
0x9: {  	[smem:$0x3FB0] =	sst s1  }
0xa: {  	[smem:$0x3FB1] =	sst s2  }
0xb: {  	[smem:$0x3FB2] =	sst s3  }
0xc: {  	[smem:$0x3FB3] =	sst s4  }
0xd: {  	[smem:$0x3FB4] =	sst s5  }
0xe: {  	[smem:$0x3FB5] =	sst s6  }
0xf: {  	[smem:$0x3FB6] =	sst s7  }
0x10: {  	[smem:$0x3FB7] =	sst s8  }
0x11: {  	[smem:$0x3FB8] =	sst s9;
	s0 =	simm.s32 @!p0 $0x0  }
0x12: {  	s1 =	sld [smem:$0x3F9E];
	s0 =	simm.s32 @p0 $0x1  }
0x13: {  	[smem:$0x3FB9] =	sst s0;
	s0 =	simm.s32 @!p1 $0x0  }
0x14: {  	s2 =	sld [smem:$0x3F9D];
	s0 =	simm.s32 @p1 $0x1  }
0x15: {  	[smem:$0x3FBA] =	sst s0;
	s0 =	simm.s32 @!p2 $0x0  }
0x16: {  	s3 =	sld [smem:$0x3FDB];
	s0 =	simm.s32 @p2 $0x1  }
0x17: {  	s4 =	simm.s32 $0x1BF5;
	[smem:$0x3FBC] =	sst s0  }
0x18: {  	s0 =	sld [smem:$0x3F9F];
	_ =	swait.ge [sflag:s4], $0x0  }
0x19: {  	s7 =	sld [smem:$0x3FA0]  }
0x1a: {  	s8 =	sadd.s32 $0xFFFFE003, lr  }
0x1b: {  	s9 =	sadd.s32 $0xFFFFFEF7, lr;
	s5 =	simm.s32 $0xFFFFFFFF;
	p2 =	slt.u32 s8, $0xFFFFF086  }
0x1c: {  	p1 =	slt.u32 s9, $0xF7A;
	s5 =	simm.s32 @!p2 $0x0  }
0x1d: {  	s5 =	simm.s32 @p1 $0x1;
	p0 =	seq.s32 s7, s2  }
0x1e: {  	s7 =	smul.u32 @!p0 $0xF7A, s2;
	p2 =	seq.s32 @!p0 s5, $0x0  }
0x1f: {  	s9 =	smul.u32 $0xF7A, s1;
	s8 =	simm.s32 @!p0 $0x1BF5;
	p2 =	por !p2, p0  }
0x20: {  	[sflag:s8] =	ssyncset.s32 @!p0 $0xFFFFF086;
	s6 =	sadd.s32 @!p0 s3, s7;
	s7 =	simm.s32 @!p0 $0x108  }
0x21: {  	s3 =	sadd.s32 s3, s9;
	s6 =	sadd.s32 @!p0 $0x88, s6;
	s7 =	simm.s32 @p2 $0x1082  }
0x22: {  	[simem:s7], [sflag:s8] =	dma.local @!p0 [hbm:s6], $0xF7A  }
0x23: {  	s9 =	sor.u32 $0xD0000000, s2;
	s6 =	simm.s32 $0x108;
	_ =	swait.ge @!p0 [sflag:s8], $0x0  }
0x24: {  	s3 =	sadd.s32 $0x88, s3;
	s6 =	simm.s32 @!p1 $0x1082;
	[sflag:s4] =	ssyncset.s32 $0xFFFFF086  }
0x25: {  	[simem:s6], [sflag:s4] =	dma.local [hbm:s3], $0xF7A  }
0x26: {  	[smem:$0x3FA0] =	sst s1;
	(tag) =	ssettag s2;
	_ =	strace s9  }
0x27: {  	s1 =	sld [smem:$0x3FB0]  }
0x28: {  	s2 =	sld [smem:$0x3FB1]  }
0x29: {  	s4 =	sld [smem:$0x3FB3]  }
0x2a: {  	p0 =	seq.s32 s5, $0x0;
	s5 =	sld [smem:$0x3FB4]  }
0x2b: {  	s6 =	sld [smem:$0x3FB5]  }
0x2c: {  	s7 =	sld [smem:$0x3FB6]  }
0x2d: {  	s3 =	simm.s32 $0x108;
	s8 =	sld [smem:$0x3FB7]  }
0x2e: {  	s3 =	simm.s32 @!p0 $0x1082;
	s9 =	sld [smem:$0x3FB8]  }
0x2f: {  	lr =	sadd.s32 s0, s3;
	s0 =	sld [smem:$0x3FAF]  }
0x30: {  	s3 =	sld [smem:$0x3FB2]  }
0x31: {  	[smem:$0x3FBB] =	sst s10  }
0x32: {  	s10 =	sld [smem:$0x3FB9];
	_ =	sdelay $0x3  }
0x33: {  	p0 =	seq.s32 s10, $0x1;
	s10 =	sld [smem:$0x3FBB];
	_ =	sdelay $0x3  }
0x34: {  	[smem:$0x3FBB] =	sst s10  }
0x35: {  	s10 =	sld [smem:$0x3FBA];
	_ =	sdelay $0x3  }
0x36: {  	p1 =	seq.s32 s10, $0x1;
	s10 =	sld [smem:$0x3FBB];
	_ =	sdelay $0x3  }
0x37: {  	[smem:$0x3FBB] =	sst s10  }
0x38: {  	s10 =	sld [smem:$0x3FBC]  }
0x39: {  	_ = 	snop;
	(pc) =	sbr.ind lr, $3  }
0x3a: {  	_ = 	snop  }
0x3b: {  	_ = 	snop  }
0x3c: {  	p2 =	seq.s32 s10, $0x1;
	s10 =	sld [smem:$0x3FBB]  }
0x3d: {  	_ =	shalt  }
0x3e: {  	_ =	shalt  }
0x3f: {  	_ =	shalt  }
0x40: {  	_ =	shalt  }
0x41: {  	_ =	shalt  }
0x42: {  	_ =	shalt  }
0x43: {  	_ =	shalt  }
0x44: {  	_ =	shalt  }
0x45: {  	_ =	shalt  }
0x46: {  	_ =	shalt  }
0x47: {  	_ =	shalt  }
0x48: {  	_ =	shalt  }
0x49: {  	_ =	shalt  }
0x4a: {  	_ =	shalt  }
0x4b: {  	_ =	shalt  }
0x4c: {  	_ =	shalt  }
0x4d: {  	_ =	shalt  }
0x4e: {  	_ =	shalt  }
0x4f: {  	_ =	shalt  }
0x50: {  	_ =	shalt  }
0x51: {  	_ =	shalt  }
0x52: {  	_ =	shalt  }
0x53: {  	_ =	shalt  }
0x54: {  	_ =	shalt  }
0x55: {  	_ =	shalt  }
0x56: {  	_ =	shalt  }
0x57: {  	_ =	shalt  }
0x58: {  	_ =	shalt  }
0x59: {  	_ =	shalt  }
0x5a: {  	_ =	shalt  }
0x5b: {  	_ =	shalt  }
0x5c: {  	_ =	shalt  }
0x5d: {  	_ =	shalt  }
0x5e: {  	_ =	shalt  }
0x5f: {  	_ =	shalt  }
0x60: {  	_ =	shalt  }
0x61: {  	_ =	shalt  }
0x62: {  	_ =	shalt  }
0x63: {  	_ =	shalt  }
0x64: {  	_ =	shalt  }
0x65: {  	_ =	shalt  }
0x66: {  	_ =	shalt  }
0x67: {  	_ =	shalt  }
0x68: {  	_ =	shalt  }
0x69: {  	_ =	shalt  }
0x6a: {  	_ =	shalt  }
0x6b: {  	_ =	shalt  }
0x6c: {  	_ =	shalt  }
0x6d: {  	_ =	shalt  }
0x6e: {  	_ =	shalt  }
0x6f: {  	_ =	shalt  }
0x70: {  	_ =	shalt  }
0x71: {  	_ =	shalt  }
0x72: {  	_ =	shalt  }
0x73: {  	_ =	shalt  }
0x74: {  	_ =	shalt  }
0x75: {  	_ =	shalt  }
0x76: {  	_ =	shalt  }
0x77: {  	_ =	shalt  }
0x78: {  	_ =	shalt  }
0x79: {  	_ =	shalt  }
0x7a: {  	_ =	shalt  }
0x7b: {  	_ =	shalt  }
0x7c: {  	_ =	shalt  }
0x7d: {  	_ =	shalt  }
0x7e: {  	_ =	shalt  }
0x7f: {  	_ =	shalt  }
0x80: {  	_ =	shalt  }
0x81: {  	_ =	shalt  }
0x82: {  	_ =	shalt  }
0x83: {  	_ =	shalt  }
0x84: {  	_ =	shalt  }
0x85: {  	_ =	shalt  }
0x86: {  	_ =	shalt  }
0x87: {  	_ =	shalt  }
.Lfunc_end0:
.L_simem_size_0:
called_computation_lowered:
.L_overlay_start_0:
0x88: {  	s2 =	sld [smem:$0x3FD9]  }
0x89: {  	s3 =	sld [smem:$0x3FFE];
	_ =	sdelay $0x1  }
0x8a: {  	s1 =	srdreg.scid  }
0x8b: {  	s0 =	sand.u32 $0x1, s1  }
0x8c: {  	s16 =	sshll.u32 s0, $0xA;
	s2 =	sadd.s32 s3, s2  }
0x8d: {  	s2 =	sadd.s32 s2, s16  }
0x8e: {  	[smem:$0x3FC7] =	sst s2  }
0x8f: {  	_ = 	snop  }
0x90: {  	(tm) =	ssettm $0x1  }
0x91: {  	s17 =	sld [smem:$0x3FFB];
	_ =	sdelay $0x3  }
0x92: {  	_ =	strace s17  }
0x93: {  	s2 =	sld [smem:$0x3FFC];
	_ =	sdelay $0x3  }
0x94: {  	_ =	strace s2  }
0x95: {  	s2 =	sld [smem:$0x3FFD];
	_ =	sdelay $0x3  }
0x96: {  	_ =	strace s2  }
0x97: {  	_ =	strace $0x8FFFFFFF  }
0x98: {  	s18 =	sld [smem:$0x3FDB];
	_ =	sdelay $0x1  }
0x99: {  	s19 =	simm.s32 $_scs_section_size  }
0x9a: {  	s4 =	simm.s32 $_size__tile_overlayer_lowered;
	s5 =	simm.s32 $_tile_overlayer_lowered  }
0x9b: {  	s22 =	simm.s32 $0x1BFF;
	s21 =	sshll.u32 s5, $0x1;
	s2 =	sadd.s32 s19, s18  }
0x9c: {  	s6 =	simm.s32 $0x0;
	s20 =	sshll.u32 s4, $0x1;
	s4 =	sadd.s32 s21, s2  }
0x9d: {  	[timem:s6], [sflag:s22] =	dma.local [hbm:s4], s20  }
0x9e: {  	_ =	swait.ge [sflag:s22], s20  }
0x9f: {  	s3 =	ssub.s32 $0x0, s20;
	[sflag:s22] =	ssyncset.done $0x0  }
0xa0: {  	[sflag:s22] =	ssyncadd.s32 s3;
	_ =	sdelay $0x1  }
0xa1: {  	s23 =	simm.s32 $0x1B8B  }
0xa2: {  	_ =	swait.ge [sflag:s23], $0x1  }
0xa3: {  	[sflag:s23] =	ssyncset.done $0x0  }
0xa4: {  	s25 =	simm.s32 $0x1B8E;
	s24 =	sld [smem:$0x3FFE];
	[sflag:s23] =	ssyncadd.s32 $0xFFFFFFFF  }
0xa5: {  	s26 =	simm.s32 $execute0_lowered;
	[smem:$0x3FD2] =	sst s25  }
0xa6: {  	s4 =	sshll.u32 s26, $0x1;
	_ =	strace $0x80000046;
	[dreg:$0x1] =	wrdreg $0xFFFFFFFF  }
0xa7: {  	s28 =	simm.s32 $_size_execute0_lowered;
	s2 =	sadd.s32 s2, s4;
	[dreg:$0x0] =	wrdreg $0x0  }
0xa8: {  	s4 =	sshll.u32 s28, $0x1;
	[dreg:$0x2] =	wrdreg s2  }
0xa9: {  	[dreg:$0x3] =	wrdreg s4  }
0xaa: {  	[dreg:$0x4] =	wrdreg $0xC0  }
0xab: {  	_ =	task [dreg:s6], $0x5FFFF  }
0xac: {  	[dreg:$0x1] =	wrdreg $0xFFFFFFFF  }
0xad: {  	[dreg:$0x0] =	wrdreg $0x60  }
0xae: {  	[dreg:$0x2] =	wrdreg s24  }
0xaf: {  	[dreg:$0x3] =	wrdreg $0x9  }
0xb0: {  	_ =	task.clear_ibuf [dreg:s6], $0x4FFFF;
	_ =	strace $0x90000046  }
0xb1: {  	s29 =	simm.s32 $0x9;
	_ =	strace $0x80000048  }
0xb2: {  	_ =	swait.ge [sflag:s29], $0x1  }
0xb3: {  	[sflag:s29] =	ssyncadd.s32 $0xFFFFFFFF  }
0xb4: {  	_ =	strace $0x90000048  }
0xb5: {  	_ =	sfence  }
0xb6: {  	s30 =	sld [smem:$0x0];
	_ =	sdelay $0x2  }
0xb7: {  	s31 =	sshll.u32 s1, $0xD;
	s1 =	sshrl.u32 s1, $0x2  }
0xb8: {  	s3 =	sand.u32 $0x4000, s31;
	s1 =	sadd.s32 s1, s30  }
0xb9: {  	s0 =	sor.u32 s3, s0;
	s1 =	sshll.u32 s1, $0x11  }
0xba: {  	s0 =	sor.u32 s1, s0  }
0xbb: {  	s0 =	sadd.s32 $0x8F2B, s0  }
0xbc: {  	[sflag:s0] =	ssyncadd.remote.s32 $0x1  }
0xbd: {  	_ =	sfence.sel $0xFFFF  }
0xbe: {  	[dreg:$0x0] =	wrdreg $0xFFFFFFFF;
	(pc) =	sbr.abs _section_cstart, $3  }
0xbf: {  	[dreg:$0x1] =	wrdreg $0xFFFFFFFF  }
0xc0: {  	_ =	task.clear_ibuf [dreg:s6], $0x2FFFF;
	_ =	strace $0x9FFFFFFF  }
0xc1: {  	(tm) =	ssettm $0x7FFFFFFF  }
tec
execute0_lowered:
.L_overlay_start_1:
0x0: {  	(tag) =	ssettag $0x1  }
0x1: {  	s0 =	srdreg.scid  }
0x2: {  	s2 =	stileid.u32;
	s0 =	sand.u32 $0x1, s0  }
0x3: {  	s1 =	sor.u32 s0, s2  }
0x4: {  	p0 =	seq.s32 s0, $0x1;
	p1 =	seq.s32 s1, $0x0  }
0x5: {  	p1 =	por !p1, !p0  }
0x6: {  	s4 =	rddreg [dreg:$0x0];
	s1 =	simm.s32 $0x1;
	p1 =	por !p1, !p1  }
0x7: {  	s7 =	simm.s32 $0x1;
	s28 =	simm.s32 $0x24C0;
	s1 =	simm.s32 @!p1 $0x0  }
0x8: {  	s31 =	simm.s32 $0x2;
	s0 =	ssub.s32 $0x2, s0;
	s1 =	ssub.s32 s2, s1  }
0x9: {  	s30 =	simm.s32 $0x3;
	s18 =	sshrl.u32 s0, $0x1;
	s3 =	smul.u32 $0x7F, s1  }
0xa: {  	s29 =	simm.s32 $0x4;
	s0 =	ssub.s32 s0, s18;
	s5 =	smul.u32 $0xFFC4BBF7, s1  }
0xb: {  	s0 =	smax.u32 s0, $0x1;
	s2 =	simm.s32 $0x0;
	s6 =	smul.u32 $0xFFF78891, s1  }
0xc: {  	p1 =	sne.s32 s1, $0x0;
	[smem:$0x7FF] =	sst s2;
	s1 =	smul.u32 $0x24C00, s1  }
0xd: {  	s7 =	simm.s32 @!p1 $0x0;
	_ =	strace $0x80000047;
	s5 =	sshrl.u32 s5, $0x10  }
0xe: {  	s8 =	sshra.s32 s3, $0x1F;
	s6 =	sadd.s32 $0x888, s6;
	s3 =	sadd.s32 s3, s5  }
0xf: {  	s25 =	sor.u32 s7, s8;
	s6 =	sand.u32 $0xFFFF, s6;
	s8 =	sadd.s32 $0x2A0400, s4  }
0x10: {  	s26 =	sand.u32 $0x8000, s3;
	p6 =	sne.s32 s25, $0x1;
	p2 =	sgt.u32 s6, $0x1110  }
0x11: {  	s3 =	sshll.u32 s3, $0x10;
	s6 =	simm.s32 $0x1;
	p1 =	por !p2, !p6  }
0x12: {  	s7 =	sshrl.u32 s26, $0xF;
	s3 =	sshra.s32 s3, $0x13;
	p1 =	por !p1, !p1  }
0x13: {  	s3 =	sadd.s32 s7, s3;
	s7 =	simm.s32 $0x12600;
	s6 =	simm.s32 @!p1 $0x0  }
0x14: {  	s4 =	sadd.s32 $0x400, s4;
	s7 =	simm.s32 @!p0 $0x0;
	s3 =	ssub.s32 s3, s6  }
0x15: {  	p1 =	sne.s32 s0, $0x1;
	s1 =	sadd.s32 s7, s1;
	s6 =	smul.u32 $0x24C00, s3  }
0x16: {  	p0 =	por $0x0, $0x0;
	s3 =	simm.s32 $0x1;
	s20 =	sadd.s32 $0x24C0, s1  }
0x17: {  	s10 =	sadd.s32 $0x4980, s1;
	s12 =	sadd.s32 $0x6E40, s1;
	s6 =	sadd.s32 s7, s6  }
0x18: {  	s14 =	sadd.s32 $0x9300, s1;
	s16 =	sadd.s32 $0xB7C0, s1;
	s19 =	sadd.s32 $0x24C0, s6  }
0x19: {  	s9 =	sadd.s32 $0x4980, s6;
	s11 =	sadd.s32 $0x6E40, s6;
	s13 =	sadd.s32 $0x9300, s6  }
0x1a: {  	s15 =	sadd.s32 $0xB7C0, s6;
	s17 =	sadd.s32 $0xDC80, s6;
	s18 =	sshrl.u32 s6, $0x3  }
0x1b: {  	s6 =	sadd.s32 $0x10140, s6;
	s18 =	sadd.s32 s8, s18;
	s7 =	sshrl.u32 s19, $0x3  }
0x1c: {  	s9 =	sshrl.u32 s9, $0x3;
	s22 =	sshrl.u32 s11, $0x3;
	s24 =	sshrl.u32 s13, $0x3  }
0x1d: {  	s26 =	sshrl.u32 s15, $0x3;
	s13 =	sshrl.u32 s17, $0x3;
	s6 =	sshrl.u32 s6, $0x3  }
0x1e: {  	s17 =	sshrl.u32 s1, $0x3;
	s19 =	sshrl.u32 s20, $0x3;
	s20 =	sadd.s32 $0xDC80, s1  }
0x1f: {  	s1 =	sadd.s32 $0x10140, s1;
	[dreg:$0x2] =	wrdreg s18;
	s7 =	sadd.s32 s8, s7  }
0x20: {  	s21 =	sadd.s32 s8, s9;
	s23 =	sadd.s32 s8, s22;
	[dreg:$0x3] =	wrdreg s7  }
0x21: {  	s25 =	sadd.s32 s8, s24;
	s11 =	sadd.s32 s8, s26;
	[dreg:$0x4] =	wrdreg s21  }
0x22: {  	s15 =	sadd.s32 s8, s13;
	s5 =	sadd.s32 s8, s6;
	[dreg:$0x5] =	wrdreg s23  }
0x23: {  	s18 =	sadd.s32 s4, s17;
	s22 =	sshrl.u32 s10, $0x3;
	[dreg:$0x6] =	wrdreg s25  }
0x24: {  	s24 =	sshrl.u32 s14, $0x3;
	s26 =	sshrl.u32 s20, $0x3;
	[dreg:$0x7] =	wrdreg s11  }
0x25: {  	s1 =	sshrl.u32 s1, $0x3;
	s20 =	simm.s32 $0x8;
	[dreg:$0x8] =	wrdreg s15  }
0x26: {  	s17 =	simm.s32 $0xB;
	s14 =	simm.s32 $0xC;
	[dreg:$0x9] =	wrdreg s5  }
0x27: {  	s10 =	simm.s32 $0xE;
	[dreg:$0xa] =	wrdreg s18;
	s21 =	sadd.s32 s4, s19  }
0x28: {  	s5 =	sadd.s32 s4, s22;
	s23 =	sshrl.u32 s12, $0x3;
	s8 =	sadd.s32 s4, s24  }
0x29: {  	s25 =	sshrl.u32 s16, $0x3;
	s6 =	sadd.s32 s4, s26;
	s19 =	simm.s32 $0xB7C0  }
0x2a: {  	s15 =	simm.s32 $0xDC80;
	s11 =	simm.s32 $0x10140;
	s26 =	simm.s32 $0x5  }
0x2b: {  	s24 =	simm.s32 $0x6;
	s22 =	simm.s32 $0x7;
	s18 =	simm.s32 $0x9  }
.Ltmp0:
0x2c: {  	s16 =	simm.s32 $0xA;
	[dreg:$0xb] =	wrdreg s21;
	(pc) =	sbr.rel @!p1 .LBB2_3-.Ltmp0, $4  }
0x2d: {  	s12 =	simm.s32 $0xD;
	s7 =	simm.s32 $0xF;
	[dreg:$0xc] =	wrdreg s5  }
0x2e: {  	s13 =	sadd.s32 s4, s23;
	s9 =	sadd.s32 s4, s25;
	s4 =	sadd.s32 s4, s1  }
0x2f: {  	s25 =	simm.s32 $0x4980;
	s23 =	simm.s32 $0x6E40;
	s21 =	simm.s32 $0x9300  }
0x30: {  	s1 =	sadd.s32 $0xFFFFFFFF, s0;
	s5 =	simm.s32 $0x10;
	s0 =	rddreg [dreg:$0x2]  }
0x31: {  	[dreg:$0xd] =	wrdreg s1  }
0x32: {  	[tilespmem:s2], [sflag:$0x1] =	stream.linear.gather [hbm4b:s0+s2], $0x24C0, $0x38;
	[tilespmem:$0x12600] =	vst v63  }
0x33: {  	s1 =	rddreg [dreg:$0x3]  }
0x34: {  	[tilespmem:s28], [sflag:$0x2] =	stream.linear.gather [hbm4b:s1+s2], $0x24C0, $0x38;
	[tilespmem:$0x12600] =	vst v63  }
0x35: {  	s0 =	rddreg [dreg:$0x4]  }
0x36: {  	[tilespmem:s25], [sflag:$0x3] =	stream.linear.gather [hbm4b:s0+s2], $0x24C0, $0x38;
	[tilespmem:$0x12600] =	vst v63  }
0x37: {  	s1 =	rddreg [dreg:$0x5]  }
0x38: {  	[tilespmem:s23], [sflag:$0x4] =	stream.linear.gather [hbm4b:s1+s2], $0x24C0, $0x38;
	[tilespmem:$0x12600] =	vst v63  }
0x39: {  	s0 =	rddreg [dreg:$0x6]  }
0x3a: {  	[tilespmem:s21], [sflag:$0x5] =	stream.linear.gather [hbm4b:s0+s2], $0x24C0, $0x38;
	[tilespmem:$0x12600] =	vst v63  }
0x3b: {  	s1 =	rddreg [dreg:$0x7]  }
0x3c: {  	[tilespmem:s19], [sflag:$0x6] =	stream.linear.gather [hbm4b:s1+s2], $0x24C0, $0x38;
	[tilespmem:$0x12600] =	vst v63  }
0x3d: {  	s0 =	rddreg [dreg:$0x8]  }
0x3e: {  	[tilespmem:s15], [sflag:$0x7] =	stream.linear.gather [hbm4b:s0+s2], $0x24C0, $0x38;
	[tilespmem:$0x12600] =	vst v63  }
0x3f: {  	s1 =	rddreg [dreg:$0x9]  }
0x40: {  	[tilespmem:s11], [sflag:$0x8] =	stream.linear.gather [hbm4b:s1+s2], $0x24C0, $0x38;
	[tilespmem:$0x12600] =	vst v63  }
0x41: {  	_ =	swait.ge [sflag:s3], $0x24C0  }
0x42: {  	[sflag:s3] =	ssyncset.done $0x0  }
0x43: {  	s1 =	rddreg [dreg:$0xa];
	[sflag:s3] =	ssyncadd.s32 $0xFFFFDB40  }
0x44: {  	[hbm4b:s1+s2] =	stream.linear.scatter [tilespmem:s2], [sflag:$0x9], $0x24C0, $0x38;
	[tilespmem:$0x12600] =	vst v63  }
0x45: {  	_ =	swait.ge [sflag:s31], $0x24C0  }
0x46: {  	[sflag:s31] =	ssyncset.done $0x0  }
0x47: {  	s1 =	rddreg [dreg:$0xb];
	[sflag:s31] =	ssyncadd.s32 $0xFFFFDB40  }
0x48: {  	[hbm4b:s1+s2] =	stream.linear.scatter [tilespmem:s28], [sflag:$0xA], $0x24C0, $0x38;
	[tilespmem:$0x12600] =	vst v63  }
0x49: {  	_ =	swait.ge [sflag:s30], $0x24C0  }
0x4a: {  	[sflag:s30] =	ssyncset.done $0x0  }
0x4b: {  	s1 =	rddreg [dreg:$0xc];
	[sflag:s30] =	ssyncadd.s32 $0xFFFFDB40  }
0x4c: {  	[hbm4b:s1+s2] =	stream.linear.scatter [tilespmem:s25], [sflag:$0xB], $0x24C0, $0x38;
	[tilespmem:$0x12600] =	vst v63  }
0x4d: {  	_ =	swait.ge [sflag:s29], $0x24C0  }
0x4e: {  	[sflag:s29] =	ssyncset.done $0x0  }
0x4f: {  	[sflag:s29] =	ssyncadd.s32 $0xFFFFDB40  }
0x50: {  	[hbm4b:s13+s2] =	stream.linear.scatter [tilespmem:s23], [sflag:$0xC], $0x24C0, $0x38;
	[tilespmem:$0x12600] =	vst v63  }
0x51: {  	_ =	swait.ge [sflag:s26], $0x24C0  }
0x52: {  	[sflag:s26] =	ssyncset.done $0x0  }
0x53: {  	[sflag:s26] =	ssyncadd.s32 $0xFFFFDB40  }
0x54: {  	[hbm4b:s8+s2] =	stream.linear.scatter [tilespmem:s21], [sflag:$0xD], $0x24C0, $0x38;
	[tilespmem:$0x12600] =	vst v63  }
0x55: {  	_ =	swait.ge [sflag:s24], $0x24C0  }
0x56: {  	[sflag:s24] =	ssyncset.done $0x0  }
0x57: {  	[sflag:s24] =	ssyncadd.s32 $0xFFFFDB40  }
0x58: {  	[hbm4b:s9+s2] =	stream.linear.scatter [tilespmem:s19], [sflag:$0xE], $0x24C0, $0x38;
	[tilespmem:$0x12600] =	vst v63  }
0x59: {  	_ =	swait.ge [sflag:s22], $0x24C0  }
0x5a: {  	[sflag:s22] =	ssyncset.done $0x0  }
0x5b: {  	[sflag:s22] =	ssyncadd.s32 $0xFFFFDB40  }
0x5c: {  	[hbm4b:s6+s2] =	stream.linear.scatter [tilespmem:s15], [sflag:$0xF], $0x24C0, $0x38;
	[tilespmem:$0x12600] =	vst v63  }
0x5d: {  	_ =	swait.ge [sflag:s20], $0x24C0  }
0x5e: {  	[sflag:s20] =	ssyncset.done $0x0  }
0x5f: {  	[sflag:s20] =	ssyncadd.s32 $0xFFFFDB40  }
0x60: {  	[hbm4b:s4+s2] =	stream.linear.scatter [tilespmem:s11], [sflag:$0x10], $0x24C0, $0x38;
	[tilespmem:$0x12600] =	vst v63  }
0x61: {  	_ =	swait.ge [sflag:s18], $0x24C0  }
0x62: {  	[sflag:s18] =	ssyncset.done $0x0  }
0x63: {  	[sflag:s18] =	ssyncadd.s32 $0xFFFFDB40  }
0x64: {  	_ =	swait.ge [sflag:s16], $0x24C0  }
0x65: {  	[sflag:s16] =	ssyncset.done $0x0  }
0x66: {  	[sflag:s16] =	ssyncadd.s32 $0xFFFFDB40  }
0x67: {  	_ =	swait.ge [sflag:s17], $0x24C0  }
0x68: {  	[sflag:s17] =	ssyncset.done $0x0  }
0x69: {  	[sflag:s17] =	ssyncadd.s32 $0xFFFFDB40  }
0x6a: {  	_ =	swait.ge [sflag:s14], $0x24C0  }
0x6b: {  	[sflag:s14] =	ssyncset.done $0x0  }
0x6c: {  	[sflag:s14] =	ssyncadd.s32 $0xFFFFDB40  }
0x6d: {  	_ =	swait.ge [sflag:s12], $0x24C0  }
0x6e: {  	[sflag:s12] =	ssyncset.done $0x0  }
0x6f: {  	[sflag:s12] =	ssyncadd.s32 $0xFFFFDB40  }
0x70: {  	_ =	swait.ge [sflag:s10], $0x24C0  }
0x71: {  	[sflag:s10] =	ssyncset.done $0x0  }
0x72: {  	[sflag:s10] =	ssyncadd.s32 $0xFFFFDB40  }
0x73: {  	_ =	swait.ge [sflag:s7], $0x24C0  }
0x74: {  	s1 =	rddreg [dreg:$0xd]  }
0x75: {  	p1 =	sne.s32 s1, $0x1  }
.Ltmp1:
0x76: {  	_ = 	snop;
	(pc) =	sbr.rel @!p1 .LBB2_3-.Ltmp1, $4  }
0x77: {  	[sflag:s7] =	ssyncset.done $0x0  }
0x78: {  	[sflag:s7] =	ssyncadd.s32 $0xFFFFDB40  }
0x79: {  	p0 =	por $0x1, $0x1;
	_ =	swait.ge [sflag:s5], $0x24C0  }
0x7a: {  	s1 =	sadd.s32 $0xFFFFFFFF, s1;
	s0 =	rddreg [dreg:$0x2];
	[sflag:s5] =	ssyncset.done $0x0  }
.LBB2_2:
0x7b: {  	[sflag:s5] =	ssyncadd.s32 $0xFFFFDB40  }
0x7c: {  	s3 =	simm.s32 $0x24C0;
	s11 =	smov.u32 s9;
	s9 =	smov.u32 s8  }
0x7d: {  	[tilespmem:s2], [sflag:$0x1] =	stream.linear.gather [hbm4b:s0+s2], $0x24C0, $0x38;
	[tilespmem:$0x12600] =	vst v63  }
0x7e: {  	s8 =	smov.u32 s6;
	s6 =	smov.u32 s4;
	s4 =	rddreg [dreg:$0x3]  }
0x7f: {  	[tilespmem:s3], [sflag:$0x2] =	stream.linear.gather [hbm4b:s4+s2], $0x24C0, $0x38;
	[tilespmem:$0x12600] =	vst v63  }
0x80: {  	s28 =	simm.s32 $0x4980;
	s0 =	rddreg [dreg:$0x4]  }
0x81: {  	[tilespmem:s28], [sflag:$0x3] =	stream.linear.gather [hbm4b:s0+s2], $0x24C0, $0x38;
	[tilespmem:$0x12600] =	vst v63  }
0x82: {  	s25 =	simm.s32 $0x6E40;
	s4 =	rddreg [dreg:$0x5]  }
0x83: {  	[tilespmem:s25], [sflag:$0x4] =	stream.linear.gather [hbm4b:s4+s2], $0x24C0, $0x38;
	[tilespmem:$0x12600] =	vst v63  }
0x84: {  	s23 =	simm.s32 $0x9300;
	s0 =	rddreg [dreg:$0x6]  }
0x85: {  	[tilespmem:s23], [sflag:$0x5] =	stream.linear.gather [hbm4b:s0+s2], $0x24C0, $0x38;
	[tilespmem:$0x12600] =	vst v63  }
0x86: {  	s21 =	simm.s32 $0xB7C0;
	s4 =	rddreg [dreg:$0x7]  }
0x87: {  	[tilespmem:s21], [sflag:$0x6] =	stream.linear.gather [hbm4b:s4+s2], $0x24C0, $0x38;
	[tilespmem:$0x12600] =	vst v63  }
0x88: {  	s19 =	simm.s32 $0xDC80;
	s0 =	rddreg [dreg:$0x8]  }
0x89: {  	[tilespmem:s19], [sflag:$0x7] =	stream.linear.gather [hbm4b:s0+s2], $0x24C0, $0x38;
	[tilespmem:$0x12600] =	vst v63  }
0x8a: {  	s15 =	simm.s32 $0x10140;
	s3 =	simm.s32 $0x1;
	s4 =	rddreg [dreg:$0x9]  }
0x8b: {  	[tilespmem:s15], [sflag:$0x8] =	stream.linear.gather [hbm4b:s4+s2], $0x24C0, $0x38;
	[tilespmem:$0x12600] =	vst v63  }
0x8c: {  	_ =	swait.ge [sflag:s3], $0x24C0  }
0x8d: {  	[sflag:s3] =	ssyncset.done $0x0  }
0x8e: {  	s0 =	rddreg [dreg:$0xa];
	[sflag:s3] =	ssyncadd.s32 $0xFFFFDB40  }
0x8f: {  	[hbm4b:s0+s2] =	stream.linear.scatter [tilespmem:s2], [sflag:$0x9], $0x24C0, $0x38;
	[tilespmem:$0x12600] =	vst v63  }
0x90: {  	_ =	swait.ge [sflag:s31], $0x24C0  }
0x91: {  	[sflag:s31] =	ssyncset.done $0x0  }
0x92: {  	s28 =	simm.s32 $0x24C0;
	s0 =	rddreg [dreg:$0xb];
	[sflag:s31] =	ssyncadd.s32 $0xFFFFDB40  }
0x93: {  	[hbm4b:s0+s2] =	stream.linear.scatter [tilespmem:s28], [sflag:$0xA], $0x24C0, $0x38;
	[tilespmem:$0x12600] =	vst v63  }
0x94: {  	_ =	swait.ge [sflag:s30], $0x24C0  }
0x95: {  	[sflag:s30] =	ssyncset.done $0x0  }
0x96: {  	s25 =	simm.s32 $0x4980;
	s0 =	rddreg [dreg:$0xc];
	[sflag:s30] =	ssyncadd.s32 $0xFFFFDB40  }
0x97: {  	[hbm4b:s0+s2] =	stream.linear.scatter [tilespmem:s25], [sflag:$0xB], $0x24C0, $0x38;
	[tilespmem:$0x12600] =	vst v63  }
0x98: {  	_ =	swait.ge [sflag:s29], $0x24C0  }
0x99: {  	[sflag:s29] =	ssyncset.done $0x0  }
0x9a: {  	s23 =	simm.s32 $0x6E40;
	[sflag:s29] =	ssyncadd.s32 $0xFFFFDB40  }
0x9b: {  	[hbm4b:s13+s2] =	stream.linear.scatter [tilespmem:s23], [sflag:$0xC], $0x24C0, $0x38;
	[tilespmem:$0x12600] =	vst v63  }
0x9c: {  	_ =	swait.ge [sflag:s26], $0x24C0  }
0x9d: {  	s21 =	simm.s32 $0x9300;
	s4 =	smov.u32 s6;
	[sflag:s26] =	ssyncset.done $0x0  }
0x9e: {  	s6 =	smov.u32 s8;
	s8 =	smov.u32 s9;
	[sflag:s26] =	ssyncadd.s32 $0xFFFFDB40  }
0x9f: {  	[hbm4b:s8+s2] =	stream.linear.scatter [tilespmem:s21], [sflag:$0xD], $0x24C0, $0x38;
	[tilespmem:$0x12600] =	vst v63  }
0xa0: {  	_ =	swait.ge [sflag:s24], $0x24C0  }
0xa1: {  	[sflag:s24] =	ssyncset.done $0x0  }
0xa2: {  	s19 =	simm.s32 $0xB7C0;
	s9 =	smov.u32 s11;
	[sflag:s24] =	ssyncadd.s32 $0xFFFFDB40  }
0xa3: {  	[hbm4b:s9+s2] =	stream.linear.scatter [tilespmem:s19], [sflag:$0xE], $0x24C0, $0x38;
	[tilespmem:$0x12600] =	vst v63  }
0xa4: {  	_ =	swait.ge [sflag:s22], $0x24C0  }
0xa5: {  	[sflag:s22] =	ssyncset.done $0x0  }
0xa6: {  	s15 =	simm.s32 $0xDC80;
	[sflag:s22] =	ssyncadd.s32 $0xFFFFDB40  }
0xa7: {  	[hbm4b:s6+s2] =	stream.linear.scatter [tilespmem:s15], [sflag:$0xF], $0x24C0, $0x38;
	[tilespmem:$0x12600] =	vst v63  }
0xa8: {  	_ =	swait.ge [sflag:s20], $0x24C0  }
0xa9: {  	[sflag:s20] =	ssyncset.done $0x0  }
0xaa: {  	s11 =	simm.s32 $0x10140;
	[sflag:s20] =	ssyncadd.s32 $0xFFFFDB40  }
0xab: {  	[hbm4b:s4+s2] =	stream.linear.scatter [tilespmem:s11], [sflag:$0x10], $0x24C0, $0x38;
	[tilespmem:$0x12600] =	vst v63  }
0xac: {  	_ =	swait.ge [sflag:s18], $0x24C0  }
0xad: {  	[sflag:s18] =	ssyncset.done $0x0  }
0xae: {  	[sflag:s18] =	ssyncadd.s32 $0xFFFFDB40  }
0xaf: {  	_ =	swait.ge [sflag:s16], $0x24C0  }
0xb0: {  	[sflag:s16] =	ssyncset.done $0x0  }
0xb1: {  	[sflag:s16] =	ssyncadd.s32 $0xFFFFDB40  }
0xb2: {  	_ =	swait.ge [sflag:s17], $0x24C0  }
0xb3: {  	[sflag:s17] =	ssyncset.done $0x0  }
0xb4: {  	[sflag:s17] =	ssyncadd.s32 $0xFFFFDB40  }
0xb5: {  	_ =	swait.ge [sflag:s14], $0x24C0  }
0xb6: {  	[sflag:s14] =	ssyncset.done $0x0  }
0xb7: {  	[sflag:s14] =	ssyncadd.s32 $0xFFFFDB40  }
0xb8: {  	_ =	swait.ge [sflag:s12], $0x24C0  }
0xb9: {  	[sflag:s12] =	ssyncset.done $0x0  }
0xba: {  	[sflag:s12] =	ssyncadd.s32 $0xFFFFDB40  }
0xbb: {  	_ =	swait.ge [sflag:s10], $0x24C0  }
0xbc: {  	[sflag:s10] =	ssyncset.done $0x0  }
0xbd: {  	p1 =	sne.s32 s1, $0x1;
	[sflag:s10] =	ssyncadd.s32 $0xFFFFDB40  }
.Ltmp2:
0xbe: {  	_ =	swait.ge [sflag:s7], $0x24C0;
	(pc) =	sbr.rel @p1 .LBB2_2-.Ltmp2, $4  }
0xbf: {  	[sflag:s7] =	ssyncset.done $0x0  }
0xc0: {  	[sflag:s7] =	ssyncadd.s32 $0xFFFFDB40  }
0xc1: {  	_ =	swait.ge [sflag:s5], $0x24C0  }
0xc2: {  	s1 =	sadd.s32 $0xFFFFFFFF, s1;
	s0 =	rddreg [dreg:$0x2];
	[sflag:s5] =	ssyncset.done $0x0  }
.LBB2_3:
0xc3: {  	[sflag:s5] =	ssyncadd.s32 @p0 $0xFFFFDB40  }
0xc4: {  	[tilespmem:s2], [sflag:$0x1] =	stream.linear.gather [hbm4b:s0+s2], $0x24C0, $0x38;
	[tilespmem:$0x12600] =	vst v63  }
0xc5: {  	s1 =	rddreg [dreg:$0x3]  }
0xc6: {  	[tilespmem:s28], [sflag:$0x2] =	stream.linear.gather [hbm4b:s1+s2], $0x24C0, $0x38;
	[tilespmem:$0x12600] =	vst v63  }
0xc7: {  	s0 =	rddreg [dreg:$0x4]  }
0xc8: {  	[tilespmem:s25], [sflag:$0x3] =	stream.linear.gather [hbm4b:s0+s2], $0x24C0, $0x38;
	[tilespmem:$0x12600] =	vst v63  }
0xc9: {  	s1 =	rddreg [dreg:$0x5]  }
0xca: {  	[tilespmem:s23], [sflag:$0x4] =	stream.linear.gather [hbm4b:s1+s2], $0x24C0, $0x38;
	[tilespmem:$0x12600] =	vst v63  }
0xcb: {  	s0 =	rddreg [dreg:$0x6]  }
0xcc: {  	[tilespmem:s21], [sflag:$0x5] =	stream.linear.gather [hbm4b:s0+s2], $0x24C0, $0x38;
	[tilespmem:$0x12600] =	vst v63  }
0xcd: {  	s1 =	rddreg [dreg:$0x7]  }
0xce: {  	[tilespmem:s19], [sflag:$0x6] =	stream.linear.gather [hbm4b:s1+s2], $0x24C0, $0x38;
	[tilespmem:$0x12600] =	vst v63  }
0xcf: {  	s0 =	rddreg [dreg:$0x8]  }
0xd0: {  	[tilespmem:s15], [sflag:$0x7] =	stream.linear.gather [hbm4b:s0+s2], $0x24C0, $0x38;
	[tilespmem:$0x12600] =	vst v63  }
0xd1: {  	s1 =	rddreg [dreg:$0x9]  }
0xd2: {  	[tilespmem:s11], [sflag:$0x8] =	stream.linear.gather [hbm4b:s1+s2], $0x24C0, $0x38;
	[tilespmem:$0x12600] =	vst v63  }
0xd3: {  	_ =	swait.ge [sflag:s3], $0x24C0  }
0xd4: {  	[sflag:s3] =	ssyncset.done $0x0  }
0xd5: {  	s1 =	rddreg [dreg:$0xa];
	[sflag:s3] =	ssyncadd.s32 $0xFFFFDB40  }
0xd6: {  	[hbm4b:s1+s2] =	stream.linear.scatter [tilespmem:s2], [sflag:$0x9], $0x24C0, $0x38;
	[tilespmem:$0x12600] =	vst v63  }
0xd7: {  	_ =	swait.ge [sflag:s31], $0x24C0  }
0xd8: {  	[sflag:s31] =	ssyncset.done $0x0  }
0xd9: {  	s3 =	rddreg [dreg:$0xb];
	[sflag:s31] =	ssyncadd.s32 $0xFFFFDB40  }
0xda: {  	[hbm4b:s3+s2] =	stream.linear.scatter [tilespmem:s28], [sflag:$0xA], $0x24C0, $0x38;
	[tilespmem:$0x12600] =	vst v63  }
0xdb: {  	_ =	swait.ge [sflag:s30], $0x24C0  }
0xdc: {  	[sflag:s30] =	ssyncset.done $0x0  }
0xdd: {  	s28 =	rddreg [dreg:$0xc];
	[sflag:s30] =	ssyncadd.s32 $0xFFFFDB40  }
0xde: {  	[hbm4b:s28+s2] =	stream.linear.scatter [tilespmem:s25], [sflag:$0xB], $0x24C0, $0x38;
	[tilespmem:$0x12600] =	vst v63  }
0xdf: {  	_ =	swait.ge [sflag:s29], $0x24C0  }
0xe0: {  	[sflag:s29] =	ssyncset.done $0x0  }
0xe1: {  	[sflag:s29] =	ssyncadd.s32 $0xFFFFDB40  }
0xe2: {  	[hbm4b:s13+s2] =	stream.linear.scatter [tilespmem:s23], [sflag:$0xC], $0x24C0, $0x38;
	[tilespmem:$0x12600] =	vst v63  }
0xe3: {  	_ =	swait.ge [sflag:s26], $0x24C0  }
0xe4: {  	[sflag:s26] =	ssyncset.done $0x0  }
0xe5: {  	[sflag:s26] =	ssyncadd.s32 $0xFFFFDB40  }
0xe6: {  	[hbm4b:s8+s2] =	stream.linear.scatter [tilespmem:s21], [sflag:$0xD], $0x24C0, $0x38;
	[tilespmem:$0x12600] =	vst v63  }
0xe7: {  	_ =	swait.ge [sflag:s24], $0x24C0  }
0xe8: {  	[sflag:s24] =	ssyncset.done $0x0  }
0xe9: {  	[sflag:s24] =	ssyncadd.s32 $0xFFFFDB40  }
0xea: {  	[hbm4b:s9+s2] =	stream.linear.scatter [tilespmem:s19], [sflag:$0xE], $0x24C0, $0x38;
	[tilespmem:$0x12600] =	vst v63  }
0xeb: {  	_ =	swait.ge [sflag:s22], $0x24C0  }
0xec: {  	[sflag:s22] =	ssyncset.done $0x0  }
0xed: {  	[sflag:s22] =	ssyncadd.s32 $0xFFFFDB40  }
0xee: {  	[hbm4b:s6+s2] =	stream.linear.scatter [tilespmem:s15], [sflag:$0xF], $0x24C0, $0x38;
	[tilespmem:$0x12600] =	vst v63  }
0xef: {  	_ =	swait.ge [sflag:s20], $0x24C0  }
0xf0: {  	[sflag:s20] =	ssyncset.done $0x0  }
0xf1: {  	[sflag:s20] =	ssyncadd.s32 $0xFFFFDB40  }
0xf2: {  	[hbm4b:s4+s2] =	stream.linear.scatter [tilespmem:s11], [sflag:$0x10], $0x24C0, $0x38;
	[tilespmem:$0x12600] =	vst v63  }
0xf3: {  	_ =	swait.ge [sflag:s18], $0x24C0  }
0xf4: {  	[sflag:s18] =	ssyncset.done $0x0  }
0xf5: {  	[sflag:s18] =	ssyncadd.s32 $0xFFFFDB40  }
0xf6: {  	_ =	swait.ge [sflag:s16], $0x24C0  }
0xf7: {  	[sflag:s16] =	ssyncset.done $0x0  }
0xf8: {  	[sflag:s16] =	ssyncadd.s32 $0xFFFFDB40  }
0xf9: {  	_ =	swait.ge [sflag:s17], $0x24C0  }
0xfa: {  	[sflag:s17] =	ssyncset.done $0x0  }
0xfb: {  	[sflag:s17] =	ssyncadd.s32 $0xFFFFDB40  }
0xfc: {  	_ =	swait.ge [sflag:s14], $0x24C0  }
0xfd: {  	[sflag:s14] =	ssyncset.done $0x0  }
0xfe: {  	[sflag:s14] =	ssyncadd.s32 $0xFFFFDB40  }
0xff: {  	_ =	swait.ge [sflag:s12], $0x24C0  }
0x100: {  	[sflag:s12] =	ssyncset.done $0x0  }
0x101: {  	[sflag:s12] =	ssyncadd.s32 $0xFFFFDB40  }
0x102: {  	_ =	swait.ge [sflag:s10], $0x24C0  }
0x103: {  	[sflag:s10] =	ssyncset.done $0x0  }
0x104: {  	[sflag:s10] =	ssyncadd.s32 $0xFFFFDB40  }
0x105: {  	_ =	swait.ge [sflag:s7], $0x24C0  }
0x106: {  	[sflag:s7] =	ssyncset.done $0x0  }
0x107: {  	[sflag:s7] =	ssyncadd.s32 $0xFFFFDB40  }
0x108: {  	_ =	swait.ge [sflag:s5], $0x24C0  }
0x109: {  	[sflag:s5] =	ssyncset.done $0x0  }
0x10a: {  	[sflag:s5] =	ssyncadd.s32 $0xFFFFDB40  }
0x10b: {  	_ =	sfence.sel $0x180000  }
0x10c: {  	[bflag:$0x0] =	sbarrier.arrive $0xFFFF  }
0x10d: {  	_ =	strace $0x90000047  }
0x10e: {  	s31 =	stileid.u32;
	[bflag:$0x2] =	sbarrier.arrive $0xFFFF  }
0x10f: {  	p0 =	sne.s32 s31, $0x0;
	s0 =	rddreg [dreg:$0x1]  }
0x110: {  	s0 =	sadd.s32 @!p0 $0x100000, s0  }
0x111: {  	[sflag:s0] =	ssyncadd.tile.s32 @!p0 $0x1;
	_ =	shalt  }
.Lfunc_end2:
_tile_overlayer_lowered:
.L_overlay_start_2:
0x112: {  	(tag) =	ssettag $0x2  }
0x113: {  	s0 =	rddreg [dreg:$0x0];
	s2 =	stileid.u32  }
0x114: {  	s1 =	rddreg [dreg:$0x1];
	p0 =	sne.s32 s2, $0x0  }
0x115: {  	s3 =	rddreg [dreg:$0x2];
	[bflag:$0x3] =	sbarrier.arrive $0xFFFF;
	s2 =	simm.s32 @!p0 $0x1C11  }
0x116: {  	[timem:s3], [sflag:s2] =	dma.local @!p0 [hbm:s0], s1  }
0x117: {  	s0 =	simm.s32 @!p0 $0x11  }
0x118: {  	_ =	swait.ge @!p0 [sflag:s0], s1  }
0x119: {  	s1 =	ssub.s32 @!p0 $0x0, s1;
	[sflag:s0] =	ssyncset.done @!p0 $0x0  }
0x11a: {  	[sflag:s0] =	ssyncadd.s32 @!p0 s1  }
0x11b: {  	[bflag:$0x3] =	sbarrier.arrive $0xFFFF  }
0x11c: {  	_ =	shalt  }

</sc_bundles>
